<compile_context>
chip_gen: v7x
topology: tpu7x:2x2x1
jax: 0.10.2.dev20260603
libtpu: 0.0.44.dev20260713+nightly
codegen_flags: <defaults>
</compile_context>

<pallas_src>
import jax
import jax.numpy as jnp
import numpy as np
from jax.experimental import pallas as pl
from jax.experimental.pallas import tpu as pltpu

_N_E = 7500
_N_I = 2500
_PE = 7680
_PI = 2560
_NP = _PE + _PI
_B = 512
_NBLK = _NP // _B
_NEB = _PE // _B
_T = 50

_G_EE = 0.15
_G_EI = 0.3
_G_IE = 1.0
_G_II = 1.0
_DEC_A = float(np.exp(-1.0 / 5.0))
_DEC_G = float(np.exp(-1.0 / 6.0))


def _body(wte_ref, wti_ref, iext_ref, v0_ref, u0_ref, rate0_ref,
          se0_ref, si0_ref, rate_out_ref, acc_out_ref,
          sec, sic, V, U, RATE, ACC, YA, YG):
    t = pl.program_id(0)
    r = pl.program_id(1)

    @pl.when(jnp.logical_and(t == 0, r == 0))
    def _init():
        V[...] = v0_ref[...]
        U[...] = u0_ref[...]
        RATE[...] = rate0_ref[...]
        ACC[...] = jnp.zeros_like(ACC)
        sec[...] = se0_ref[...]
        sic[...] = si0_ref[...]

    @pl.when(r == 0)
    def _s_update():
        pre = (RATE[...] > 0.1).astype(jnp.float32)
        eye = (jax.lax.broadcasted_iota(jnp.int32, (_B, _B), 0)
               == jax.lax.broadcasted_iota(jnp.int32, (_B, _B), 1)
               ).astype(jnp.float32)
        for c in range(_NBLK):
            row = pre[c:c + 1, :]
            col = jax.lax.dot_general(
                eye, row, (((1,), (1,)), ((), ())),
                preferred_element_type=jnp.float32)
            if c < _NEB:
                off = c * _B
                sec[pl.ds(off, _B), :] = sec[pl.ds(off, _B), :] * _DEC_A + col
            else:
                off = (c - _NEB) * _B
                sic[pl.ds(off, _B), :] = sic[pl.ds(off, _B), :] * _DEC_G + col

    @pl.when(jnp.logical_and(r >= 1, r <= _NBLK))
    def _matvec():
        idx = r - 1
        ma = wte_ref[...] * sec[...].astype(jnp.bfloat16)
        ma = ma[:_PE // 2] + ma[_PE // 2:]
        ma = ma[:_PE // 4] + ma[_PE // 4:]
        YA[pl.ds(idx, 1), :] = jnp.sum(ma.astype(jnp.float32), axis=0,
                                       keepdims=True)
        mg = wti_ref[...] * sic[...].astype(jnp.bfloat16)
        mg = mg[:_PI // 2] + mg[_PI // 2:]
        mg = mg[:_PI // 4] + mg[_PI // 4:]
        YG[pl.ds(idx, 1), :] = jnp.sum(mg.astype(jnp.float32), axis=0,
                                       keepdims=True)

    @pl.when(r == _NBLK + 1)
    def _dynamics():
        row = jax.lax.broadcasted_iota(jnp.int32, (_NBLK, _B), 0)
        is_e = row < _NEB
        g_a = jnp.where(is_e, _G_EE, _G_EI)
        g_g = jnp.where(is_e, _G_IE, _G_II)
        a = jnp.where(is_e, 0.02, 0.1)
        d = jnp.where(is_e, 8.0, 2.0)
        v = V[...]
        u = U[...]
        cur = iext_ref[...] + g_a * YA[...] * (0.0 - v) \
            + g_g * YG[...] * (-70.0 - v)
        v_new = v + (0.04 * v * v + 5.0 * v + 140.0 - u + cur)
        u_new = u + a * (0.2 * v - u)
        sp = (v_new >= 30.0).astype(jnp.float32)
        V[...] = jnp.where(sp > 0.0, -65.0, jnp.clip(v_new, -90.0, 30.0))
        U[...] = u_new + d * sp
        RATE[...] = 0.9 * RATE[...] + 0.1 * sp
        ACC[...] = ACC[...] + sp
        rate_out_ref[...] = RATE[...]
        acc_out_ref[...] = ACC[...]


def _pack(vec_e, vec_i, pad_e=0.0, pad_i=0.0):
    flat = jnp.concatenate([
        jnp.pad(vec_e, (0, _PE - _N_E), constant_values=pad_e),
        jnp.pad(vec_i, (0, _PI - _N_I), constant_values=pad_i),
    ])
    return flat.reshape(_NBLK, _B)


def kernel(I_ext_e, I_ext_i, W_ee, W_ei, W_ie, W_ii, v_e, u_e, rate_e,
           v_i, u_i, rate_i, s_ee, s_ei, s_ie, s_ii, substeps):
    bf = jnp.bfloat16
    wte = jnp.concatenate([
        jnp.pad(W_ee.T.astype(bf), ((0, _PE - _N_E), (0, _PE - _N_E))),
        jnp.pad(W_ei.T.astype(bf), ((0, _PE - _N_E), (0, _PI - _N_I))),
    ], axis=1)
    wti = jnp.concatenate([
        jnp.pad(W_ie.T.astype(bf), ((0, _PI - _N_I), (0, _PE - _N_E))),
        jnp.pad(W_ii.T.astype(bf), ((0, _PI - _N_I), (0, _PI - _N_I))),
    ], axis=1)

    iext = _pack(I_ext_e, I_ext_i)
    v0 = _pack(v_e, v_i, -65.0, -65.0)
    u0 = _pack(u_e, u_i, -13.0, -13.0)
    rate0 = _pack(rate_e, rate_i)
    se0 = jnp.pad(s_ee, (0, _PE - _N_E)).reshape(_PE, 1)
    si0 = jnp.pad(s_ie, (0, _PI - _N_I)).reshape(_PI, 1)

    grid = (_T, _NBLK + 2)

    def _wte_map(t, r):
        return (0, jnp.clip(r - 1, 0, _NBLK - 1))

    full = lambda t, r: (0, 0)

    rate_out, acc_out = pl.pallas_call(
        _body,
        grid=grid,
        in_specs=[
            pl.BlockSpec((_PE, _B), _wte_map),
            pl.BlockSpec((_PI, _B), _wte_map),
            pl.BlockSpec((_NBLK, _B), full),
            pl.BlockSpec((_NBLK, _B), full),
            pl.BlockSpec((_NBLK, _B), full),
            pl.BlockSpec((_NBLK, _B), full),
            pl.BlockSpec((_PE, 1), full),
            pl.BlockSpec((_PI, 1), full),
        ],
        out_specs=[
            pl.BlockSpec((_NBLK, _B), full),
            pl.BlockSpec((_NBLK, _B), full),
        ],
        out_shape=[
            jax.ShapeDtypeStruct((_NBLK, _B), jnp.float32),
            jax.ShapeDtypeStruct((_NBLK, _B), jnp.float32),
        ],
        scratch_shapes=[
            pltpu.VMEM((_PE, 1), jnp.float32),
            pltpu.VMEM((_PI, 1), jnp.float32),
            pltpu.VMEM((_NBLK, _B), jnp.float32),
            pltpu.VMEM((_NBLK, _B), jnp.float32),
            pltpu.VMEM((_NBLK, _B), jnp.float32),
            pltpu.VMEM((_NBLK, _B), jnp.float32),
            pltpu.VMEM((_NBLK, _B), jnp.float32),
            pltpu.VMEM((_NBLK, _B), jnp.float32),
        ],
    )(wte, wti, iext, v0, u0, rate0, se0, si0)

    rate_flat = rate_out.reshape(_NP)
    acc_flat = acc_out.reshape(_NP)
    return (rate_flat[:_N_E], rate_flat[_PE:_PE + _N_I],
            acc_flat[:_N_E], acc_flat[_PE:_PE + _N_I])

# --- scband reference (transcript-rebuilt; emitter-appended) ---
"""Pipeline reference for scband-eilayer-67018669686947 (READ-ONLY COPY).

The authoritative reference and input builder live on the scoring server;
editing this copy changes nothing except your own understanding.
"""

import jax, jax.numpy as jnp
import numpy as np

N_E = 7500
N_I = 2500
G_EE = 0.15; G_EI = 0.3; G_IE = 1.0; G_II = 1.0
P_EE = 0.1; P_EI = 0.1; P_IE = 0.2; P_II = 0.2
E_AMPA = 0.0; E_GABA = -70.0
TAU_AMPA = 5.0; TAU_GABA = 6.0
DT = 1.0

def _sparse_w(key, n_post, n_pre, p):
    k1, k2 = jax.random.split(key)
    mask = (jax.random.uniform(k1, (n_post, n_pre)) < p).astype(jnp.float32)
    w = jax.random.uniform(k2, (n_post, n_pre), dtype=jnp.float32)
    return mask * w

def setup_inputs(seed: int = 0):
    key = jax.random.key(seed)
    ks = jax.random.split(key, 8)
    I_ext_e = jax.random.normal(ks[0], (N_E,), dtype=jnp.float32) * 5.0 + 8.0
    I_ext_i = jax.random.normal(ks[1], (N_I,), dtype=jnp.float32) * 5.0 + 2.0
    W_ee = _sparse_w(ks[2], N_E, N_E, P_EE)
    W_ei = _sparse_w(ks[3], N_I, N_E, P_EI)
    W_ie = _sparse_w(ks[4], N_E, N_I, P_IE)
    W_ii = _sparse_w(ks[5], N_I, N_I, P_II)
    v_e = jnp.full((N_E,), -65.0, dtype=jnp.float32)
    u_e = jnp.full((N_E,), -13.0, dtype=jnp.float32)
    rate_e = jax.random.uniform(ks[6], (N_E,), dtype=jnp.float32) * 0.3
    v_i = jnp.full((N_I,), -65.0, dtype=jnp.float32)
    u_i = jnp.full((N_I,), -13.0, dtype=jnp.float32)
    rate_i = jax.random.uniform(ks[7], (N_I,), dtype=jnp.float32) * 0.3
    s_ee = jnp.zeros((N_E,), dtype=jnp.float32)
    s_ei = jnp.zeros((N_E,), dtype=jnp.float32)
    s_ie = jnp.zeros((N_I,), dtype=jnp.float32)
    s_ii = jnp.zeros((N_I,), dtype=jnp.float32)
    return {"I_ext_e": I_ext_e, "I_ext_i": I_ext_i, "W_ee": W_ee, "W_ei": W_ei, "W_ie": W_ie, "W_ii": W_ii, "v_e": v_e, "u_e": u_e, "rate_e": rate_e, "v_i": v_i, "u_i": u_i, "rate_i": rate_i, "s_ee": s_ee, "s_ei": s_ei, "s_ie": s_ie, "s_ii": s_ii, "substeps": 50}

def reference(I_ext_e, I_ext_i, W_ee, W_ei, W_ie, W_ii, v_e, u_e, rate_e, v_i, u_i, rate_i, s_ee, s_ei, s_ie, s_ii, substeps):
    a_e, b_e, c_e, d_e = 0.02, 0.2, -65.0, 8.0
    a_i, b_i, c_i, d_i = 0.1, 0.2, -65.0, 2.0
    dec_a = float(np.exp(-DT / TAU_AMPA))
    dec_g = float(np.exp(-DT / TAU_GABA))
    spike_E_acc = jnp.zeros_like(v_e)
    spike_I_acc = jnp.zeros_like(v_i)

    def body(_, carry):
        (s_ee, s_ei, s_ie, s_ii, v_e, u_e, rate_e, v_i, u_i, rate_i,
         spike_E_acc, spike_I_acc) = carry
        pre_e = (rate_e > 0.1).astype(jnp.float32)
        pre_i = (rate_i > 0.1).astype(jnp.float32)
        s_ee = s_ee * dec_a + pre_e
        s_ei = s_ei * dec_a + pre_e
        s_ie = s_ie * dec_g + pre_i
        s_ii = s_ii * dec_g + pre_i
        I_ee = G_EE * (W_ee @ s_ee) * (E_AMPA - v_e)
        I_ie = G_IE * (W_ie @ s_ie) * (E_GABA - v_e)
        I_ei = G_EI * (W_ei @ s_ei) * (E_AMPA - v_i)
        I_ii = G_II * (W_ii @ s_ii) * (E_GABA - v_i)
        I_e = I_ext_e + I_ee + I_ie
        v_e_new = v_e + DT * (0.04 * v_e * v_e + 5.0 * v_e + 140.0 - u_e + I_e)
        u_e_new = u_e + DT * a_e * (b_e * v_e - u_e)
        sp_e = (v_e_new >= 30.0).astype(jnp.float32)
        v_e = jnp.where(sp_e > 0.0, c_e, jnp.clip(v_e_new, -90.0, 30.0))
        u_e = u_e_new + d_e * sp_e
        rate_e = 0.9 * rate_e + 0.1 * sp_e
        I_i = I_ext_i + I_ei + I_ii
        v_i_new = v_i + DT * (0.04 * v_i * v_i + 5.0 * v_i + 140.0 - u_i + I_i)
        u_i_new = u_i + DT * a_i * (b_i * v_i - u_i)
        sp_i = (v_i_new >= 30.0).astype(jnp.float32)
        v_i = jnp.where(sp_i > 0.0, c_i, jnp.clip(v_i_new, -90.0, 30.0))
        u_i = u_i_new + d_i * sp_i
        rate_i = 0.9 * rate_i + 0.1 * sp_i
        spike_E_acc = spike_E_acc + sp_e
        spike_I_acc = spike_I_acc + sp_i
        return (s_ee, s_ei, s_ie, s_ii, v_e, u_e, rate_e, v_i, u_i, rate_i,
                spike_E_acc, spike_I_acc)

    carry = (s_ee, s_ei, s_ie, s_ii, v_e, u_e, rate_e, v_i, u_i, rate_i,
             spike_E_acc, spike_I_acc)
    carry = jax.lax.fori_loop(0, substeps, body, carry)
    (s_ee, s_ei, s_ie, s_ii, v_e, u_e, rate_e, v_i, u_i, rate_i,
     spike_E_acc, spike_I_acc) = carry
    return (rate_e, rate_i, spike_E_acc, spike_I_acc)

if __name__ == "__main__":
    import jax
    _d = setup_inputs()
    print(jax.jit(kernel)(*tuple(_d.values())))

</pallas_src>

<mosaic_0001>
module attributes {stable_mosaic.version = 14 : i64} {
  func.func @_body(%arg0: i32, %arg1: i32, %arg2: memref<7680x512xbf16, #tpu.memory_space<vmem>>, %arg3: memref<2560x512xbf16, #tpu.memory_space<vmem>>, %arg4: memref<20x512xf32, #tpu.memory_space<vmem>>, %arg5: memref<20x512xf32, #tpu.memory_space<vmem>>, %arg6: memref<20x512xf32, #tpu.memory_space<vmem>>, %arg7: memref<20x512xf32, #tpu.memory_space<vmem>>, %arg8: memref<7680x1xf32, #tpu.memory_space<vmem>>, %arg9: memref<2560x1xf32, #tpu.memory_space<vmem>>, %arg10: memref<20x512xf32, #tpu.memory_space<vmem>>, %arg11: memref<20x512xf32, #tpu.memory_space<vmem>>, %arg12: memref<7680x1xf32, #tpu.memory_space<vmem>>, %arg13: memref<2560x1xf32, #tpu.memory_space<vmem>>, %arg14: memref<20x512xf32, #tpu.memory_space<vmem>>, %arg15: memref<20x512xf32, #tpu.memory_space<vmem>>, %arg16: memref<20x512xf32, #tpu.memory_space<vmem>>, %arg17: memref<20x512xf32, #tpu.memory_space<vmem>>, %arg18: memref<20x512xf32, #tpu.memory_space<vmem>>, %arg19: memref<20x512xf32, #tpu.memory_space<vmem>>) attributes {dimension_semantics = [#tpu.dimension_semantics<arbitrary>, #tpu.dimension_semantics<arbitrary>], iteration_bounds = array<i64: 50, 22>, scalar_prefetch = 0 : i64, scratch_operands = 8 : i64, tpu.core_type = #tpu.core_type<tc>, window_params = [{transform_indices = @transform_0, window_bounds = array<i64: 7680, 512>}, {transform_indices = @transform_1, window_bounds = array<i64: 2560, 512>}, {pipeline_mode = #tpu.pipeline_mode<synchronous>, transform_indices = @transform_2, window_bounds = array<i64: 20, 512>}, {pipeline_mode = #tpu.pipeline_mode<synchronous>, transform_indices = @transform_3, window_bounds = array<i64: 20, 512>}, {pipeline_mode = #tpu.pipeline_mode<synchronous>, transform_indices = @transform_4, window_bounds = array<i64: 20, 512>}, {pipeline_mode = #tpu.pipeline_mode<synchronous>, transform_indices = @transform_5, window_bounds = array<i64: 20, 512>}, {pipeline_mode = #tpu.pipeline_mode<synchronous>, transform_indices = @transform_6, window_bounds = array<i64: 7680, 1>}, {pipeline_mode = #tpu.pipeline_mode<synchronous>, transform_indices = @transform_7, window_bounds = array<i64: 2560, 1>}, {pipeline_mode = #tpu.pipeline_mode<synchronous>, transform_indices = @transform_8, window_bounds = array<i64: 20, 512>}, {pipeline_mode = #tpu.pipeline_mode<synchronous>, transform_indices = @transform_9, window_bounds = array<i64: 20, 512>}]} {
    %eq3A = arith.constant 0 : i32
    %eq3A_0 = arith.cmpi eq, %arg0, %eq3A : i32
    %eq3A_1 = arith.constant 0 : i32
    %eq3A_2 = arith.cmpi eq, %arg1, %eq3A_1 : i32
    %and3A = arith.andi %eq3A_0, %eq3A_2 : i1
    %convert_element_type3A = arith.extui %and3A : i1 to i32
    %cond3A = arith.constant 0 : i32
    %cond3A_3 = arith.cmpi ne, %convert_element_type3A, %cond3A : i32
    scf.if %cond3A_3 {
      %get3A = arith.constant 0 : index
      %get3A_20 = arith.constant 0 : index
      %get3A_21 = vector.load %arg5[%get3A, %get3A_20] : memref<20x512xf32, #tpu.memory_space<vmem>>, vector<20x512xf32>
      %swap3A = arith.constant 0 : index
      %swap3A_22 = arith.constant 0 : index
      %swap3A_23 = vector.load %arg14[%swap3A, %swap3A_22] : memref<20x512xf32, #tpu.memory_space<vmem>>, vector<20x512xf32>
      tpu.vector_store %arg14[%swap3A, %swap3A_22], %get3A_21 {strides = array<i32>} : memref<20x512xf32, #tpu.memory_space<vmem>>, vector<20x512xf32>,
      %get3A_24 = arith.constant 0 : index
      %get3A_25 = arith.constant 0 : index
      %get3A_26 = vector.load %arg6[%get3A_24, %get3A_25] : memref<20x512xf32, #tpu.memory_space<vmem>>, vector<20x512xf32>
      %swap3A_27 = arith.constant 0 : index
      %swap3A_28 = arith.constant 0 : index
      %swap3A_29 = vector.load %arg15[%swap3A_27, %swap3A_28] : memref<20x512xf32, #tpu.memory_space<vmem>>, vector<20x512xf32>
      tpu.vector_store %arg15[%swap3A_27, %swap3A_28], %get3A_26 {strides = array<i32>} : memref<20x512xf32, #tpu.memory_space<vmem>>, vector<20x512xf32>,
      %get3A_30 = arith.constant 0 : index
      %get3A_31 = arith.constant 0 : index
      %get3A_32 = vector.load %arg7[%get3A_30, %get3A_31] : memref<20x512xf32, #tpu.memory_space<vmem>>, vector<20x512xf32>
      %swap3A_33 = arith.constant 0 : index
      %swap3A_34 = arith.constant 0 : index
      %swap3A_35 = vector.load %arg16[%swap3A_33, %swap3A_34] : memref<20x512xf32, #tpu.memory_space<vmem>>, vector<20x512xf32>
      tpu.vector_store %arg16[%swap3A_33, %swap3A_34], %get3A_32 {strides = array<i32>} : memref<20x512xf32, #tpu.memory_space<vmem>>, vector<20x512xf32>,
      %broadcast_in_dim3A = arith.constant 0.000000e+00 : f32
      %broadcast_in_dim3A_36 = vector.broadcast %broadcast_in_dim3A : f32 to vector<20x512xf32>
      %swap3A_37 = arith.constant 0 : index
      %swap3A_38 = arith.constant 0 : index
      %swap3A_39 = vector.load %arg17[%swap3A_37, %swap3A_38] : memref<20x512xf32, #tpu.memory_space<vmem>>, vector<20x512xf32>
      tpu.vector_store %arg17[%swap3A_37, %swap3A_38], %broadcast_in_dim3A_36 {strides = array<i32>} : memref<20x512xf32, #tpu.memory_space<vmem>>, vector<20x512xf32>,
      %get3A_40 = arith.constant 0 : index
      %get3A_41 = arith.constant 0 : index
      %get3A_42 = vector.load %arg8[%get3A_40, %get3A_41] : memref<7680x1xf32, #tpu.memory_space<vmem>>, vector<7680x1xf32>
      %swap3A_43 = arith.constant 0 : index
      %swap3A_44 = arith.constant 0 : index
      %swap3A_45 = vector.load %arg12[%swap3A_43, %swap3A_44] : memref<7680x1xf32, #tpu.memory_space<vmem>>, vector<7680x1xf32>
      tpu.vector_store %arg12[%swap3A_43, %swap3A_44], %get3A_42 {strides = array<i32>} : memref<7680x1xf32, #tpu.memory_space<vmem>>, vector<7680x1xf32>,
      %get3A_46 = arith.constant 0 : index
      %get3A_47 = arith.constant 0 : index
      %get3A_48 = vector.load %arg9[%get3A_46, %get3A_47] : memref<2560x1xf32, #tpu.memory_space<vmem>>, vector<2560x1xf32>
      %swap3A_49 = arith.constant 0 : index
      %swap3A_50 = arith.constant 0 : index
      %swap3A_51 = vector.load %arg13[%swap3A_49, %swap3A_50] : memref<2560x1xf32, #tpu.memory_space<vmem>>, vector<2560x1xf32>
      tpu.vector_store %arg13[%swap3A_49, %swap3A_50], %get3A_48 {strides = array<i32>} : memref<2560x1xf32, #tpu.memory_space<vmem>>, vector<2560x1xf32>,
    } else {
    }
    %eq3A_4 = arith.constant 0 : i32
    %eq3A_5 = arith.cmpi eq, %arg1, %eq3A_4 : i32
    %convert_element_type3A_6 = arith.extui %eq3A_5 : i1 to i32
    %cond3A_7 = arith.constant 0 : i32
    %cond3A_8 = arith.cmpi ne, %convert_element_type3A_6, %cond3A_7 : i32
    scf.if %cond3A_8 {
      %get3A = arith.constant 0 : index
      %get3A_20 = arith.constant 0 : index
      %get3A_21 = vector.load %arg16[%get3A, %get3A_20] : memref<20x512xf32, #tpu.memory_space<vmem>>, vector<20x512xf32>
      %gt3A = arith.constant 1.000000e-01 : f32
      %gt3A_22 = vector.broadcast %gt3A : f32 to vector<20x512xf32>
      %gt3A_23 = arith.cmpf ogt, %get3A_21, %gt3A_22 : vector<20x512xf32>
      %convert_element_type3A_24 = arith.extui %gt3A_23 : vector<20x512xi1> to vector<20x512xi32>
      %convert_element_type3A_25 = arith.sitofp %convert_element_type3A_24 : vector<20x512xi32> to vector<20x512xf32>
      %iota3A = tpu.iota {dimensions = array<i32: 0>} : vector<512x512xi32>
      %iota3A_26 = tpu.iota {dimensions = array<i32: 1>} : vector<512x512xi32>
      %eq3A_27 = arith.cmpi eq, %iota3A, %iota3A_26 : vector<512x512xi32>
      %convert_element_type3A_28 = arith.extui %eq3A_27 : vector<512x512xi1> to vector<512x512xi32>
      %convert_element_type3A_29 = arith.sitofp %convert_element_type3A_28 : vector<512x512xi32> to vector<512x512xf32>
      %slice3A = vector.extract_strided_slice %convert_element_type3A_25 {offsets = [0, 0], sizes = [1, 512], strides = [1, 1]} : vector<20x512xf32> to vector<1x512xf32>
      %dot_general3A = arith.constant dense<0.000000e+00> : vector<512x1xf32>
      %dot_general3A_30 = tpu.matmul %convert_element_type3A_29, %slice3A, %dot_general3A {dimension_numbers = #tpu.dot_dimension_numbers<[1], [1], [0], [0], [0, 0, 1, 0], [], []>, transpose_lhs_hint = false} : vector<512x512xf32>, vector<1x512xf32>, vector<512x1xf32> -> vector<512x1xf32>
      %get3A_31 = arith.constant 0 : index
      %get3A_32 = arith.constant 0 : index
      %get3A_33 = vector.load %arg12[%get3A_31, %get3A_32] : memref<7680x1xf32, #tpu.memory_space<vmem>>, vector<512x1xf32>
      %mul3A = arith.constant 0.818730771 : f32
      %mul3A_34 = vector.broadcast %mul3A : f32 to vector<512x1xf32>
      %mul3A_35 = arith.mulf %get3A_33, %mul3A_34 : vector<512x1xf32>
      %add3A = arith.addf %mul3A_35, %dot_general3A_30 : vector<512x1xf32>
      %swap3A = arith.constant 0 : index
      %swap3A_36 = arith.constant 0 : index
      %swap3A_37 = vector.load %arg12[%swap3A, %swap3A_36] : memref<7680x1xf32, #tpu.memory_space<vmem>>, vector<512x1xf32>
      tpu.vector_store %arg12[%swap3A, %swap3A_36], %add3A {strides = array<i32>} : memref<7680x1xf32, #tpu.memory_space<vmem>>, vector<512x1xf32>,
      %slice3A_38 = vector.extract_strided_slice %convert_element_type3A_25 {offsets = [1, 0], sizes = [1, 512], strides = [1, 1]} : vector<20x512xf32> to vector<1x512xf32>
      %dot_general3A_39 = arith.constant dense<0.000000e+00> : vector<512x1xf32>
      %dot_general3A_40 = tpu.matmul %convert_element_type3A_29, %slice3A_38, %dot_general3A_39 {dimension_numbers = #tpu.dot_dimension_numbers<[1], [1], [0], [0], [0, 0, 1, 0], [], []>, transpose_lhs_hint = false} : vector<512x512xf32>, vector<1x512xf32>, vector<512x1xf32> -> vector<512x1xf32>
      %get3A_41 = arith.constant 512 : index
      %get3A_42 = arith.constant 0 : index
      %get3A_43 = vector.load %arg12[%get3A_41, %get3A_42] : memref<7680x1xf32, #tpu.memory_space<vmem>>, vector<512x1xf32>
      %mul3A_44 = arith.constant 0.818730771 : f32
      %mul3A_45 = vector.broadcast %mul3A_44 : f32 to vector<512x1xf32>
      %mul3A_46 = arith.mulf %get3A_43, %mul3A_45 : vector<512x1xf32>
      %add3A_47 = arith.addf %mul3A_46, %dot_general3A_40 : vector<512x1xf32>
      %swap3A_48 = arith.constant 512 : index
      %swap3A_49 = arith.constant 0 : index
      %swap3A_50 = vector.load %arg12[%swap3A_48, %swap3A_49] : memref<7680x1xf32, #tpu.memory_space<vmem>>, vector<512x1xf32>
      tpu.vector_store %arg12[%swap3A_48, %swap3A_49], %add3A_47 {strides = array<i32>} : memref<7680x1xf32, #tpu.memory_space<vmem>>, vector<512x1xf32>,
      %slice3A_51 = vector.extract_strided_slice %convert_element_type3A_25 {offsets = [2, 0], sizes = [1, 512], strides = [1, 1]} : vector<20x512xf32> to vector<1x512xf32>
      %dot_general3A_52 = arith.constant dense<0.000000e+00> : vector<512x1xf32>
      %dot_general3A_53 = tpu.matmul %convert_element_type3A_29, %slice3A_51, %dot_general3A_52 {dimension_numbers = #tpu.dot_dimension_numbers<[1], [1], [0], [0], [0, 0, 1, 0], [], []>, transpose_lhs_hint = false} : vector<512x512xf32>, vector<1x512xf32>, vector<512x1xf32> -> vector<512x1xf32>
      %get3A_54 = arith.constant 1024 : index
      %get3A_55 = arith.constant 0 : index
      %get3A_56 = vector.load %arg12[%get3A_54, %get3A_55] : memref<7680x1xf32, #tpu.memory_space<vmem>>, vector<512x1xf32>
      %mul3A_57 = arith.constant 0.818730771 : f32
      %mul3A_58 = vector.broadcast %mul3A_57 : f32 to vector<512x1xf32>
      %mul3A_59 = arith.mulf %get3A_56, %mul3A_58 : vector<512x1xf32>
      %add3A_60 = arith.addf %mul3A_59, %dot_general3A_53 : vector<512x1xf32>
      %swap3A_61 = arith.constant 1024 : index
      %swap3A_62 = arith.constant 0 : index
      %swap3A_63 = vector.load %arg12[%swap3A_61, %swap3A_62] : memref<7680x1xf32, #tpu.memory_space<vmem>>, vector<512x1xf32>
      tpu.vector_store %arg12[%swap3A_61, %swap3A_62], %add3A_60 {strides = array<i32>} : memref<7680x1xf32, #tpu.memory_space<vmem>>, vector<512x1xf32>,
      %slice3A_64 = vector.extract_strided_slice %convert_element_type3A_25 {offsets = [3, 0], sizes = [1, 512], strides = [1, 1]} : vector<20x512xf32> to vector<1x512xf32>
      %dot_general3A_65 = arith.constant dense<0.000000e+00> : vector<512x1xf32>
      %dot_general3A_66 = tpu.matmul %convert_element_type3A_29, %slice3A_64, %dot_general3A_65 {dimension_numbers = #tpu.dot_dimension_numbers<[1], [1], [0], [0], [0, 0, 1, 0], [], []>, transpose_lhs_hint = false} : vector<512x512xf32>, vector<1x512xf32>, vector<512x1xf32> -> vector<512x1xf32>
      %get3A_67 = arith.constant 1536 : index
      %get3A_68 = arith.constant 0 : index
      %get3A_69 = vector.load %arg12[%get3A_67, %get3A_68] : memref<7680x1xf32, #tpu.memory_space<vmem>>, vector<512x1xf32>
      %mul3A_70 = arith.constant 0.818730771 : f32
      %mul3A_71 = vector.broadcast %mul3A_70 : f32 to vector<512x1xf32>
      %mul3A_72 = arith.mulf %get3A_69, %mul3A_71 : vector<512x1xf32>
      %add3A_73 = arith.addf %mul3A_72, %dot_general3A_66 : vector<512x1xf32>
      %swap3A_74 = arith.constant 1536 : index
      %swap3A_75 = arith.constant 0 : index
      %swap3A_76 = vector.load %arg12[%swap3A_74, %swap3A_75] : memref<7680x1xf32, #tpu.memory_space<vmem>>, vector<512x1xf32>
      tpu.vector_store %arg12[%swap3A_74, %swap3A_75], %add3A_73 {strides = array<i32>} : memref<7680x1xf32, #tpu.memory_space<vmem>>, vector<512x1xf32>,
      %slice3A_77 = vector.extract_strided_slice %convert_element_type3A_25 {offsets = [4, 0], sizes = [1, 512], strides = [1, 1]} : vector<20x512xf32> to vector<1x512xf32>
      %dot_general3A_78 = arith.constant dense<0.000000e+00> : vector<512x1xf32>
      %dot_general3A_79 = tpu.matmul %convert_element_type3A_29, %slice3A_77, %dot_general3A_78 {dimension_numbers = #tpu.dot_dimension_numbers<[1], [1], [0], [0], [0, 0, 1, 0], [], []>, transpose_lhs_hint = false} : vector<512x512xf32>, vector<1x512xf32>, vector<512x1xf32> -> vector<512x1xf32>
      %get3A_80 = arith.constant 2048 : index
      %get3A_81 = arith.constant 0 : index
      %get3A_82 = vector.load %arg12[%get3A_80, %get3A_81] : memref<7680x1xf32, #tpu.memory_space<vmem>>, vector<512x1xf32>
      %mul3A_83 = arith.constant 0.818730771 : f32
      %mul3A_84 = vector.broadcast %mul3A_83 : f32 to vector<512x1xf32>
      %mul3A_85 = arith.mulf %get3A_82, %mul3A_84 : vector<512x1xf32>
      %add3A_86 = arith.addf %mul3A_85, %dot_general3A_79 : vector<512x1xf32>
      %swap3A_87 = arith.constant 2048 : index
      %swap3A_88 = arith.constant 0 : index
      %swap3A_89 = vector.load %arg12[%swap3A_87, %swap3A_88] : memref<7680x1xf32, #tpu.memory_space<vmem>>, vector<512x1xf32>
      tpu.vector_store %arg12[%swap3A_87, %swap3A_88], %add3A_86 {strides = array<i32>} : memref<7680x1xf32, #tpu.memory_space<vmem>>, vector<512x1xf32>,
      %slice3A_90 = vector.extract_strided_slice %convert_element_type3A_25 {offsets = [5, 0], sizes = [1, 512], strides = [1, 1]} : vector<20x512xf32> to vector<1x512xf32>
      %dot_general3A_91 = arith.constant dense<0.000000e+00> : vector<512x1xf32>
      %dot_general3A_92 = tpu.matmul %convert_element_type3A_29, %slice3A_90, %dot_general3A_91 {dimension_numbers = #tpu.dot_dimension_numbers<[1], [1], [0], [0], [0, 0, 1, 0], [], []>, transpose_lhs_hint = false} : vector<512x512xf32>, vector<1x512xf32>, vector<512x1xf32> -> vector<512x1xf32>
      %get3A_93 = arith.constant 2560 : index
      %get3A_94 = arith.constant 0 : index
      %get3A_95 = vector.load %arg12[%get3A_93, %get3A_94] : memref<7680x1xf32, #tpu.memory_space<vmem>>, vector<512x1xf32>
      %mul3A_96 = arith.constant 0.818730771 : f32
      %mul3A_97 = vector.broadcast %mul3A_96 : f32 to vector<512x1xf32>
      %mul3A_98 = arith.mulf %get3A_95, %mul3A_97 : vector<512x1xf32>
      %add3A_99 = arith.addf %mul3A_98, %dot_general3A_92 : vector<512x1xf32>
      %swap3A_100 = arith.constant 2560 : index
      %swap3A_101 = arith.constant 0 : index
      %swap3A_102 = vector.load %arg12[%swap3A_100, %swap3A_101] : memref<7680x1xf32, #tpu.memory_space<vmem>>, vector<512x1xf32>
      tpu.vector_store %arg12[%swap3A_100, %swap3A_101], %add3A_99 {strides = array<i32>} : memref<7680x1xf32, #tpu.memory_space<vmem>>, vector<512x1xf32>,
      %slice3A_103 = vector.extract_strided_slice %convert_element_type3A_25 {offsets = [6, 0], sizes = [1, 512], strides = [1, 1]} : vector<20x512xf32> to vector<1x512xf32>
      %dot_general3A_104 = arith.constant dense<0.000000e+00> : vector<512x1xf32>
      %dot_general3A_105 = tpu.matmul %convert_element_type3A_29, %slice3A_103, %dot_general3A_104 {dimension_numbers = #tpu.dot_dimension_numbers<[1], [1], [0], [0], [0, 0, 1, 0], [], []>, transpose_lhs_hint = false} : vector<512x512xf32>, vector<1x512xf32>, vector<512x1xf32> -> vector<512x1xf32>
      %get3A_106 = arith.constant 3072 : index
      %get3A_107 = arith.constant 0 : index
      %get3A_108 = vector.load %arg12[%get3A_106, %get3A_107] : memref<7680x1xf32, #tpu.memory_space<vmem>>, vector<512x1xf32>
      %mul3A_109 = arith.constant 0.818730771 : f32
      %mul3A_110 = vector.broadcast %mul3A_109 : f32 to vector<512x1xf32>
      %mul3A_111 = arith.mulf %get3A_108, %mul3A_110 : vector<512x1xf32>
      %add3A_112 = arith.addf %mul3A_111, %dot_general3A_105 : vector<512x1xf32>
      %swap3A_113 = arith.constant 3072 : index
      %swap3A_114 = arith.constant 0 : index
      %swap3A_115 = vector.load %arg12[%swap3A_113, %swap3A_114] : memref<7680x1xf32, #tpu.memory_space<vmem>>, vector<512x1xf32>
      tpu.vector_store %arg12[%swap3A_113, %swap3A_114], %add3A_112 {strides = array<i32>} : memref<7680x1xf32, #tpu.memory_space<vmem>>, vector<512x1xf32>,
      %slice3A_116 = vector.extract_strided_slice %convert_element_type3A_25 {offsets = [7, 0], sizes = [1, 512], strides = [1, 1]} : vector<20x512xf32> to vector<1x512xf32>
      %dot_general3A_117 = arith.constant dense<0.000000e+00> : vector<512x1xf32>
      %dot_general3A_118 = tpu.matmul %convert_element_type3A_29, %slice3A_116, %dot_general3A_117 {dimension_numbers = #tpu.dot_dimension_numbers<[1], [1], [0], [0], [0, 0, 1, 0], [], []>, transpose_lhs_hint = false} : vector<512x512xf32>, vector<1x512xf32>, vector<512x1xf32> -> vector<512x1xf32>
      %get3A_119 = arith.constant 3584 : index
      %get3A_120 = arith.constant 0 : index
      %get3A_121 = vector.load %arg12[%get3A_119, %get3A_120] : memref<7680x1xf32, #tpu.memory_space<vmem>>, vector<512x1xf32>
      %mul3A_122 = arith.constant 0.818730771 : f32
      %mul3A_123 = vector.broadcast %mul3A_122 : f32 to vector<512x1xf32>
      %mul3A_124 = arith.mulf %get3A_121, %mul3A_123 : vector<512x1xf32>
      %add3A_125 = arith.addf %mul3A_124, %dot_general3A_118 : vector<512x1xf32>
      %swap3A_126 = arith.constant 3584 : index
      %swap3A_127 = arith.constant 0 : index
      %swap3A_128 = vector.load %arg12[%swap3A_126, %swap3A_127] : memref<7680x1xf32, #tpu.memory_space<vmem>>, vector<512x1xf32>
      tpu.vector_store %arg12[%swap3A_126, %swap3A_127], %add3A_125 {strides = array<i32>} : memref<7680x1xf32, #tpu.memory_space<vmem>>, vector<512x1xf32>,
      %slice3A_129 = vector.extract_strided_slice %convert_element_type3A_25 {offsets = [8, 0], sizes = [1, 512], strides = [1, 1]} : vector<20x512xf32> to vector<1x512xf32>
      %dot_general3A_130 = arith.constant dense<0.000000e+00> : vector<512x1xf32>
      %dot_general3A_131 = tpu.matmul %convert_element_type3A_29, %slice3A_129, %dot_general3A_130 {dimension_numbers = #tpu.dot_dimension_numbers<[1], [1], [0], [0], [0, 0, 1, 0], [], []>, transpose_lhs_hint = false} : vector<512x512xf32>, vector<1x512xf32>, vector<512x1xf32> -> vector<512x1xf32>
      %get3A_132 = arith.constant 4096 : index
      %get3A_133 = arith.constant 0 : index
      %get3A_134 = vector.load %arg12[%get3A_132, %get3A_133] : memref<7680x1xf32, #tpu.memory_space<vmem>>, vector<512x1xf32>
      %mul3A_135 = arith.constant 0.818730771 : f32
      %mul3A_136 = vector.broadcast %mul3A_135 : f32 to vector<512x1xf32>
      %mul3A_137 = arith.mulf %get3A_134, %mul3A_136 : vector<512x1xf32>
      %add3A_138 = arith.addf %mul3A_137, %dot_general3A_131 : vector<512x1xf32>
      %swap3A_139 = arith.constant 4096 : index
      %swap3A_140 = arith.constant 0 : index
      %swap3A_141 = vector.load %arg12[%swap3A_139, %swap3A_140] : memref<7680x1xf32, #tpu.memory_space<vmem>>, vector<512x1xf32>
      tpu.vector_store %arg12[%swap3A_139, %swap3A_140], %add3A_138 {strides = array<i32>} : memref<7680x1xf32, #tpu.memory_space<vmem>>, vector<512x1xf32>,
      %slice3A_142 = vector.extract_strided_slice %convert_element_type3A_25 {offsets = [9, 0], sizes = [1, 512], strides = [1, 1]} : vector<20x512xf32> to vector<1x512xf32>
      %dot_general3A_143 = arith.constant dense<0.000000e+00> : vector<512x1xf32>
      %dot_general3A_144 = tpu.matmul %convert_element_type3A_29, %slice3A_142, %dot_general3A_143 {dimension_numbers = #tpu.dot_dimension_numbers<[1], [1], [0], [0], [0, 0, 1, 0], [], []>, transpose_lhs_hint = false} : vector<512x512xf32>, vector<1x512xf32>, vector<512x1xf32> -> vector<512x1xf32>
      %get3A_145 = arith.constant 4608 : index
      %get3A_146 = arith.constant 0 : index
      %get3A_147 = vector.load %arg12[%get3A_145, %get3A_146] : memref<7680x1xf32, #tpu.memory_space<vmem>>, vector<512x1xf32>
      %mul3A_148 = arith.constant 0.818730771 : f32
      %mul3A_149 = vector.broadcast %mul3A_148 : f32 to vector<512x1xf32>
      %mul3A_150 = arith.mulf %get3A_147, %mul3A_149 : vector<512x1xf32>
      %add3A_151 = arith.addf %mul3A_150, %dot_general3A_144 : vector<512x1xf32>
      %swap3A_152 = arith.constant 4608 : index
      %swap3A_153 = arith.constant 0 : index
      %swap3A_154 = vector.load %arg12[%swap3A_152, %swap3A_153] : memref<7680x1xf32, #tpu.memory_space<vmem>>, vector<512x1xf32>
      tpu.vector_store %arg12[%swap3A_152, %swap3A_153], %add3A_151 {strides = array<i32>} : memref<7680x1xf32, #tpu.memory_space<vmem>>, vector<512x1xf32>,
      %slice3A_155 = vector.extract_strided_slice %convert_element_type3A_25 {offsets = [10, 0], sizes = [1, 512], strides = [1, 1]} : vector<20x512xf32> to vector<1x512xf32>
      %dot_general3A_156 = arith.constant dense<0.000000e+00> : vector<512x1xf32>
      %dot_general3A_157 = tpu.matmul %convert_element_type3A_29, %slice3A_155, %dot_general3A_156 {dimension_numbers = #tpu.dot_dimension_numbers<[1], [1], [0], [0], [0, 0, 1, 0], [], []>, transpose_lhs_hint = false} : vector<512x512xf32>, vector<1x512xf32>, vector<512x1xf32> -> vector<512x1xf32>
      %get3A_158 = arith.constant 5120 : index
      %get3A_159 = arith.constant 0 : index
      %get3A_160 = vector.load %arg12[%get3A_158, %get3A_159] : memref<7680x1xf32, #tpu.memory_space<vmem>>, vector<512x1xf32>
      %mul3A_161 = arith.constant 0.818730771 : f32
      %mul3A_162 = vector.broadcast %mul3A_161 : f32 to vector<512x1xf32>
      %mul3A_163 = arith.mulf %get3A_160, %mul3A_162 : vector<512x1xf32>
      %add3A_164 = arith.addf %mul3A_163, %dot_general3A_157 : vector<512x1xf32>
      %swap3A_165 = arith.constant 5120 : index
      %swap3A_166 = arith.constant 0 : index
      %swap3A_167 = vector.load %arg12[%swap3A_165, %swap3A_166] : memref<7680x1xf32, #tpu.memory_space<vmem>>, vector<512x1xf32>
      tpu.vector_store %arg12[%swap3A_165, %swap3A_166], %add3A_164 {strides = array<i32>} : memref<7680x1xf32, #tpu.memory_space<vmem>>, vector<512x1xf32>,
      %slice3A_168 = vector.extract_strided_slice %convert_element_type3A_25 {offsets = [11, 0], sizes = [1, 512], strides = [1, 1]} : vector<20x512xf32> to vector<1x512xf32>
      %dot_general3A_169 = arith.constant dense<0.000000e+00> : vector<512x1xf32>
      %dot_general3A_170 = tpu.matmul %convert_element_type3A_29, %slice3A_168, %dot_general3A_169 {dimension_numbers = #tpu.dot_dimension_numbers<[1], [1], [0], [0], [0, 0, 1, 0], [], []>, transpose_lhs_hint = false} : vector<512x512xf32>, vector<1x512xf32>, vector<512x1xf32> -> vector<512x1xf32>
      %get3A_171 = arith.constant 5632 : index
      %get3A_172 = arith.constant 0 : index
      %get3A_173 = vector.load %arg12[%get3A_171, %get3A_172] : memref<7680x1xf32, #tpu.memory_space<vmem>>, vector<512x1xf32>
      %mul3A_174 = arith.constant 0.818730771 : f32
      %mul3A_175 = vector.broadcast %mul3A_174 : f32 to vector<512x1xf32>
      %mul3A_176 = arith.mulf %get3A_173, %mul3A_175 : vector<512x1xf32>
      %add3A_177 = arith.addf %mul3A_176, %dot_general3A_170 : vector<512x1xf32>
      %swap3A_178 = arith.constant 5632 : index
      %swap3A_179 = arith.constant 0 : index
      %swap3A_180 = vector.load %arg12[%swap3A_178, %swap3A_179] : memref<7680x1xf32, #tpu.memory_space<vmem>>, vector<512x1xf32>
      tpu.vector_store %arg12[%swap3A_178, %swap3A_179], %add3A_177 {strides = array<i32>} : memref<7680x1xf32, #tpu.memory_space<vmem>>, vector<512x1xf32>,
      %slice3A_181 = vector.extract_strided_slice %convert_element_type3A_25 {offsets = [12, 0], sizes = [1, 512], strides = [1, 1]} : vector<20x512xf32> to vector<1x512xf32>
      %dot_general3A_182 = arith.constant dense<0.000000e+00> : vector<512x1xf32>
      %dot_general3A_183 = tpu.matmul %convert_element_type3A_29, %slice3A_181, %dot_general3A_182 {dimension_numbers = #tpu.dot_dimension_numbers<[1], [1], [0], [0], [0, 0, 1, 0], [], []>, transpose_lhs_hint = false} : vector<512x512xf32>, vector<1x512xf32>, vector<512x1xf32> -> vector<512x1xf32>
      %get3A_184 = arith.constant 6144 : index
      %get3A_185 = arith.constant 0 : index
      %get3A_186 = vector.load %arg12[%get3A_184, %get3A_185] : memref<7680x1xf32, #tpu.memory_space<vmem>>, vector<512x1xf32>
      %mul3A_187 = arith.constant 0.818730771 : f32
      %mul3A_188 = vector.broadcast %mul3A_187 : f32 to vector<512x1xf32>
      %mul3A_189 = arith.mulf %get3A_186, %mul3A_188 : vector<512x1xf32>
      %add3A_190 = arith.addf %mul3A_189, %dot_general3A_183 : vector<512x1xf32>
      %swap3A_191 = arith.constant 6144 : index
      %swap3A_192 = arith.constant 0 : index
      %swap3A_193 = vector.load %arg12[%swap3A_191, %swap3A_192] : memref<7680x1xf32, #tpu.memory_space<vmem>>, vector<512x1xf32>
      tpu.vector_store %arg12[%swap3A_191, %swap3A_192], %add3A_190 {strides = array<i32>} : memref<7680x1xf32, #tpu.memory_space<vmem>>, vector<512x1xf32>,
      %slice3A_194 = vector.extract_strided_slice %convert_element_type3A_25 {offsets = [13, 0], sizes = [1, 512], strides = [1, 1]} : vector<20x512xf32> to vector<1x512xf32>
      %dot_general3A_195 = arith.constant dense<0.000000e+00> : vector<512x1xf32>
      %dot_general3A_196 = tpu.matmul %convert_element_type3A_29, %slice3A_194, %dot_general3A_195 {dimension_numbers = #tpu.dot_dimension_numbers<[1], [1], [0], [0], [0, 0, 1, 0], [], []>, transpose_lhs_hint = false} : vector<512x512xf32>, vector<1x512xf32>, vector<512x1xf32> -> vector<512x1xf32>
      %get3A_197 = arith.constant 6656 : index
      %get3A_198 = arith.constant 0 : index
      %get3A_199 = vector.load %arg12[%get3A_197, %get3A_198] : memref<7680x1xf32, #tpu.memory_space<vmem>>, vector<512x1xf32>
      %mul3A_200 = arith.constant 0.818730771 : f32
      %mul3A_201 = vector.broadcast %mul3A_200 : f32 to vector<512x1xf32>
      %mul3A_202 = arith.mulf %get3A_199, %mul3A_201 : vector<512x1xf32>
      %add3A_203 = arith.addf %mul3A_202, %dot_general3A_196 : vector<512x1xf32>
      %swap3A_204 = arith.constant 6656 : index
      %swap3A_205 = arith.constant 0 : index
      %swap3A_206 = vector.load %arg12[%swap3A_204, %swap3A_205] : memref<7680x1xf32, #tpu.memory_space<vmem>>, vector<512x1xf32>
      tpu.vector_store %arg12[%swap3A_204, %swap3A_205], %add3A_203 {strides = array<i32>} : memref<7680x1xf32, #tpu.memory_space<vmem>>, vector<512x1xf32>,
      %slice3A_207 = vector.extract_strided_slice %convert_element_type3A_25 {offsets = [14, 0], sizes = [1, 512], strides = [1, 1]} : vector<20x512xf32> to vector<1x512xf32>
      %dot_general3A_208 = arith.constant dense<0.000000e+00> : vector<512x1xf32>
      %dot_general3A_209 = tpu.matmul %convert_element_type3A_29, %slice3A_207, %dot_general3A_208 {dimension_numbers = #tpu.dot_dimension_numbers<[1], [1], [0], [0], [0, 0, 1, 0], [], []>, transpose_lhs_hint = false} : vector<512x512xf32>, vector<1x512xf32>, vector<512x1xf32> -> vector<512x1xf32>
      %get3A_210 = arith.constant 7168 : index
      %get3A_211 = arith.constant 0 : index
      %get3A_212 = vector.load %arg12[%get3A_210, %get3A_211] : memref<7680x1xf32, #tpu.memory_space<vmem>>, vector<512x1xf32>
      %mul3A_213 = arith.constant 0.818730771 : f32
      %mul3A_214 = vector.broadcast %mul3A_213 : f32 to vector<512x1xf32>
      %mul3A_215 = arith.mulf %get3A_212, %mul3A_214 : vector<512x1xf32>
      %add3A_216 = arith.addf %mul3A_215, %dot_general3A_209 : vector<512x1xf32>
      %swap3A_217 = arith.constant 7168 : index
      %swap3A_218 = arith.constant 0 : index
      %swap3A_219 = vector.load %arg12[%swap3A_217, %swap3A_218] : memref<7680x1xf32, #tpu.memory_space<vmem>>, vector<512x1xf32>
      tpu.vector_store %arg12[%swap3A_217, %swap3A_218], %add3A_216 {strides = array<i32>} : memref<7680x1xf32, #tpu.memory_space<vmem>>, vector<512x1xf32>,
      %slice3A_220 = vector.extract_strided_slice %convert_element_type3A_25 {offsets = [15, 0], sizes = [1, 512], strides = [1, 1]} : vector<20x512xf32> to vector<1x512xf32>
      %dot_general3A_221 = arith.constant dense<0.000000e+00> : vector<512x1xf32>
      %dot_general3A_222 = tpu.matmul %convert_element_type3A_29, %slice3A_220, %dot_general3A_221 {dimension_numbers = #tpu.dot_dimension_numbers<[1], [1], [0], [0], [0, 0, 1, 0], [], []>, transpose_lhs_hint = false} : vector<512x512xf32>, vector<1x512xf32>, vector<512x1xf32> -> vector<512x1xf32>
      %get3A_223 = arith.constant 0 : index
      %get3A_224 = arith.constant 0 : index
      %get3A_225 = vector.load %arg13[%get3A_223, %get3A_224] : memref<2560x1xf32, #tpu.memory_space<vmem>>, vector<512x1xf32>
      %mul3A_226 = arith.constant 0.84648174 : f32
      %mul3A_227 = vector.broadcast %mul3A_226 : f32 to vector<512x1xf32>
      %mul3A_228 = arith.mulf %get3A_225, %mul3A_227 : vector<512x1xf32>
      %add3A_229 = arith.addf %mul3A_228, %dot_general3A_222 : vector<512x1xf32>
      %swap3A_230 = arith.constant 0 : index
      %swap3A_231 = arith.constant 0 : index
      %swap3A_232 = vector.load %arg13[%swap3A_230, %swap3A_231] : memref<2560x1xf32, #tpu.memory_space<vmem>>, vector<512x1xf32>
      tpu.vector_store %arg13[%swap3A_230, %swap3A_231], %add3A_229 {strides = array<i32>} : memref<2560x1xf32, #tpu.memory_space<vmem>>, vector<512x1xf32>,
      %slice3A_233 = vector.extract_strided_slice %convert_element_type3A_25 {offsets = [16, 0], sizes = [1, 512], strides = [1, 1]} : vector<20x512xf32> to vector<1x512xf32>
      %dot_general3A_234 = arith.constant dense<0.000000e+00> : vector<512x1xf32>
      %dot_general3A_235 = tpu.matmul %convert_element_type3A_29, %slice3A_233, %dot_general3A_234 {dimension_numbers = #tpu.dot_dimension_numbers<[1], [1], [0], [0], [0, 0, 1, 0], [], []>, transpose_lhs_hint = false} : vector<512x512xf32>, vector<1x512xf32>, vector<512x1xf32> -> vector<512x1xf32>
      %get3A_236 = arith.constant 512 : index
      %get3A_237 = arith.constant 0 : index
      %get3A_238 = vector.load %arg13[%get3A_236, %get3A_237] : memref<2560x1xf32, #tpu.memory_space<vmem>>, vector<512x1xf32>
      %mul3A_239 = arith.constant 0.84648174 : f32
      %mul3A_240 = vector.broadcast %mul3A_239 : f32 to vector<512x1xf32>
      %mul3A_241 = arith.mulf %get3A_238, %mul3A_240 : vector<512x1xf32>
      %add3A_242 = arith.addf %mul3A_241, %dot_general3A_235 : vector<512x1xf32>
      %swap3A_243 = arith.constant 512 : index
      %swap3A_244 = arith.constant 0 : index
      %swap3A_245 = vector.load %arg13[%swap3A_243, %swap3A_244] : memref<2560x1xf32, #tpu.memory_space<vmem>>, vector<512x1xf32>
      tpu.vector_store %arg13[%swap3A_243, %swap3A_244], %add3A_242 {strides = array<i32>} : memref<2560x1xf32, #tpu.memory_space<vmem>>, vector<512x1xf32>,
      %slice3A_246 = vector.extract_strided_slice %convert_element_type3A_25 {offsets = [17, 0], sizes = [1, 512], strides = [1, 1]} : vector<20x512xf32> to vector<1x512xf32>
      %dot_general3A_247 = arith.constant dense<0.000000e+00> : vector<512x1xf32>
      %dot_general3A_248 = tpu.matmul %convert_element_type3A_29, %slice3A_246, %dot_general3A_247 {dimension_numbers = #tpu.dot_dimension_numbers<[1], [1], [0], [0], [0, 0, 1, 0], [], []>, transpose_lhs_hint = false} : vector<512x512xf32>, vector<1x512xf32>, vector<512x1xf32> -> vector<512x1xf32>
      %get3A_249 = arith.constant 1024 : index
      %get3A_250 = arith.constant 0 : index
      %get3A_251 = vector.load %arg13[%get3A_249, %get3A_250] : memref<2560x1xf32, #tpu.memory_space<vmem>>, vector<512x1xf32>
      %mul3A_252 = arith.constant 0.84648174 : f32
      %mul3A_253 = vector.broadcast %mul3A_252 : f32 to vector<512x1xf32>
      %mul3A_254 = arith.mulf %get3A_251, %mul3A_253 : vector<512x1xf32>
      %add3A_255 = arith.addf %mul3A_254, %dot_general3A_248 : vector<512x1xf32>
      %swap3A_256 = arith.constant 1024 : index
      %swap3A_257 = arith.constant 0 : index
      %swap3A_258 = vector.load %arg13[%swap3A_256, %swap3A_257] : memref<2560x1xf32, #tpu.memory_space<vmem>>, vector<512x1xf32>
      tpu.vector_store %arg13[%swap3A_256, %swap3A_257], %add3A_255 {strides = array<i32>} : memref<2560x1xf32, #tpu.memory_space<vmem>>, vector<512x1xf32>,
      %slice3A_259 = vector.extract_strided_slice %convert_element_type3A_25 {offsets = [18, 0], sizes = [1, 512], strides = [1, 1]} : vector<20x512xf32> to vector<1x512xf32>
      %dot_general3A_260 = arith.constant dense<0.000000e+00> : vector<512x1xf32>
      %dot_general3A_261 = tpu.matmul %convert_element_type3A_29, %slice3A_259, %dot_general3A_260 {dimension_numbers = #tpu.dot_dimension_numbers<[1], [1], [0], [0], [0, 0, 1, 0], [], []>, transpose_lhs_hint = false} : vector<512x512xf32>, vector<1x512xf32>, vector<512x1xf32> -> vector<512x1xf32>
      %get3A_262 = arith.constant 1536 : index
      %get3A_263 = arith.constant 0 : index
      %get3A_264 = vector.load %arg13[%get3A_262, %get3A_263] : memref<2560x1xf32, #tpu.memory_space<vmem>>, vector<512x1xf32>
      %mul3A_265 = arith.constant 0.84648174 : f32
      %mul3A_266 = vector.broadcast %mul3A_265 : f32 to vector<512x1xf32>
      %mul3A_267 = arith.mulf %get3A_264, %mul3A_266 : vector<512x1xf32>
      %add3A_268 = arith.addf %mul3A_267, %dot_general3A_261 : vector<512x1xf32>
      %swap3A_269 = arith.constant 1536 : index
      %swap3A_270 = arith.constant 0 : index
      %swap3A_271 = vector.load %arg13[%swap3A_269, %swap3A_270] : memref<2560x1xf32, #tpu.memory_space<vmem>>, vector<512x1xf32>
      tpu.vector_store %arg13[%swap3A_269, %swap3A_270], %add3A_268 {strides = array<i32>} : memref<2560x1xf32, #tpu.memory_space<vmem>>, vector<512x1xf32>,
      %slice3A_272 = vector.extract_strided_slice %convert_element_type3A_25 {offsets = [19, 0], sizes = [1, 512], strides = [1, 1]} : vector<20x512xf32> to vector<1x512xf32>
      %dot_general3A_273 = arith.constant dense<0.000000e+00> : vector<512x1xf32>
      %dot_general3A_274 = tpu.matmul %convert_element_type3A_29, %slice3A_272, %dot_general3A_273 {dimension_numbers = #tpu.dot_dimension_numbers<[1], [1], [0], [0], [0, 0, 1, 0], [], []>, transpose_lhs_hint = false} : vector<512x512xf32>, vector<1x512xf32>, vector<512x1xf32> -> vector<512x1xf32>
      %get3A_275 = arith.constant 2048 : index
      %get3A_276 = arith.constant 0 : index
      %get3A_277 = vector.load %arg13[%get3A_275, %get3A_276] : memref<2560x1xf32, #tpu.memory_space<vmem>>, vector<512x1xf32>
      %mul3A_278 = arith.constant 0.84648174 : f32
      %mul3A_279 = vector.broadcast %mul3A_278 : f32 to vector<512x1xf32>
      %mul3A_280 = arith.mulf %get3A_277, %mul3A_279 : vector<512x1xf32>
      %add3A_281 = arith.addf %mul3A_280, %dot_general3A_274 : vector<512x1xf32>
      %swap3A_282 = arith.constant 2048 : index
      %swap3A_283 = arith.constant 0 : index
      %swap3A_284 = vector.load %arg13[%swap3A_282, %swap3A_283] : memref<2560x1xf32, #tpu.memory_space<vmem>>, vector<512x1xf32>
      tpu.vector_store %arg13[%swap3A_282, %swap3A_283], %add3A_281 {strides = array<i32>} : memref<2560x1xf32, #tpu.memory_space<vmem>>, vector<512x1xf32>,
    } else {
    }
    %ge3A = arith.constant 1 : i32
    %ge3A_9 = arith.cmpi sge, %arg1, %ge3A : i32
    %le3A = arith.constant 20 : i32
    %le3A_10 = arith.cmpi sle, %arg1, %le3A : i32
    %and3A_11 = arith.andi %ge3A_9, %le3A_10 : i1
    %convert_element_type3A_12 = arith.extui %and3A_11 : i1 to i32
    %cond3A_13 = arith.constant 0 : i32
    %cond3A_14 = arith.cmpi ne, %convert_element_type3A_12, %cond3A_13 : i32
    scf.if %cond3A_14 {
      %sub3A = arith.constant 1 : i32
      %sub3A_20 = arith.subi %arg1, %sub3A : i32
      %get3A = arith.constant 0 : index
      %get3A_21 = arith.constant 0 : index
      %get3A_22 = vector.load %arg2[%get3A, %get3A_21] : memref<7680x512xbf16, #tpu.memory_space<vmem>>, vector<7680x512xbf16>
      %get3A_23 = arith.constant 0 : index
      %get3A_24 = arith.constant 0 : index
      %get3A_25 = vector.load %arg12[%get3A_23, %get3A_24] : memref<7680x1xf32, #tpu.memory_space<vmem>>, vector<7680x1xf32>
      %convert_element_type3A_26 = arith.truncf %get3A_25 : vector<7680x1xf32> to vector<7680x1xbf16>
      %mul3A = vector.broadcast %convert_element_type3A_26 : vector<7680x1xbf16> to vector<7680x512xbf16>
      %mul3A_27 = arith.mulf %get3A_22, %mul3A : vector<7680x512xbf16>
      %slice3A = vector.extract_strided_slice %mul3A_27 {offsets = [0, 0], sizes = [3840, 512], strides = [1, 1]} : vector<7680x512xbf16> to vector<3840x512xbf16>
      %slice3A_28 = vector.extract_strided_slice %mul3A_27 {offsets = [3840, 0], sizes = [3840, 512], strides = [1, 1]} : vector<7680x512xbf16> to vector<3840x512xbf16>
      %add3A = arith.addf %slice3A, %slice3A_28 : vector<3840x512xbf16>
      %slice3A_29 = vector.extract_strided_slice %add3A {offsets = [0, 0], sizes = [1920, 512], strides = [1, 1]} : vector<3840x512xbf16> to vector<1920x512xbf16>
      %slice3A_30 = vector.extract_strided_slice %add3A {offsets = [1920, 0], sizes = [1920, 512], strides = [1, 1]} : vector<3840x512xbf16> to vector<1920x512xbf16>
      %add3A_31 = arith.addf %slice3A_29, %slice3A_30 : vector<1920x512xbf16>
      %convert_element_type3A_32 = arith.extf %add3A_31 : vector<1920x512xbf16> to vector<1920x512xf32>
      %reduce_sum3A = arith.constant dense<0.000000e+00> : vector<512xf32>
      %reduce_sum3A_33 = vector.multi_reduction <add>, %convert_element_type3A_32, %reduce_sum3A [0] : vector<1920x512xf32> to vector<512xf32>
      %broadcast_in_dim3A = vector.shape_cast %reduce_sum3A_33 : vector<512xf32> to vector<1x512xf32>
      %swap3A = arith.index_cast %sub3A_20 : i32 to index
      %swap3A_34 = arith.constant 0 : index
      %swap3A_35 = vector.load %arg18[%swap3A, %swap3A_34] : memref<20x512xf32, #tpu.memory_space<vmem>>, vector<1x512xf32>
      tpu.vector_store %arg18[%swap3A, %swap3A_34], %broadcast_in_dim3A {strides = array<i32>} : memref<20x512xf32, #tpu.memory_space<vmem>>, vector<1x512xf32>,
      %get3A_36 = arith.constant 0 : index
      %get3A_37 = arith.constant 0 : index
      %get3A_38 = vector.load %arg3[%get3A_36, %get3A_37] : memref<2560x512xbf16, #tpu.memory_space<vmem>>, vector<2560x512xbf16>
      %get3A_39 = arith.constant 0 : index
      %get3A_40 = arith.constant 0 : index
      %get3A_41 = vector.load %arg13[%get3A_39, %get3A_40] : memref<2560x1xf32, #tpu.memory_space<vmem>>, vector<2560x1xf32>
      %convert_element_type3A_42 = arith.truncf %get3A_41 : vector<2560x1xf32> to vector<2560x1xbf16>
      %mul3A_43 = vector.broadcast %convert_element_type3A_42 : vector<2560x1xbf16> to vector<2560x512xbf16>
      %mul3A_44 = arith.mulf %get3A_38, %mul3A_43 : vector<2560x512xbf16>
      %slice3A_45 = vector.extract_strided_slice %mul3A_44 {offsets = [0, 0], sizes = [1280, 512], strides = [1, 1]} : vector<2560x512xbf16> to vector<1280x512xbf16>
      %slice3A_46 = vector.extract_strided_slice %mul3A_44 {offsets = [1280, 0], sizes = [1280, 512], strides = [1, 1]} : vector<2560x512xbf16> to vector<1280x512xbf16>
      %add3A_47 = arith.addf %slice3A_45, %slice3A_46 : vector<1280x512xbf16>
      %slice3A_48 = vector.extract_strided_slice %add3A_47 {offsets = [0, 0], sizes = [640, 512], strides = [1, 1]} : vector<1280x512xbf16> to vector<640x512xbf16>
      %slice3A_49 = vector.extract_strided_slice %add3A_47 {offsets = [640, 0], sizes = [640, 512], strides = [1, 1]} : vector<1280x512xbf16> to vector<640x512xbf16>
      %add3A_50 = arith.addf %slice3A_48, %slice3A_49 : vector<640x512xbf16>
      %convert_element_type3A_51 = arith.extf %add3A_50 : vector<640x512xbf16> to vector<640x512xf32>
      %reduce_sum3A_52 = arith.constant dense<0.000000e+00> : vector<512xf32>
      %reduce_sum3A_53 = vector.multi_reduction <add>, %convert_element_type3A_51, %reduce_sum3A_52 [0] : vector<640x512xf32> to vector<512xf32>
      %broadcast_in_dim3A_54 = vector.shape_cast %reduce_sum3A_53 : vector<512xf32> to vector<1x512xf32>
      %swap3A_55 = arith.index_cast %sub3A_20 : i32 to index
      %swap3A_56 = arith.constant 0 : index
      %swap3A_57 = vector.load %arg19[%swap3A_55, %swap3A_56] : memref<20x512xf32, #tpu.memory_space<vmem>>, vector<1x512xf32>
      tpu.vector_store %arg19[%swap3A_55, %swap3A_56], %broadcast_in_dim3A_54 {strides = array<i32>} : memref<20x512xf32, #tpu.memory_space<vmem>>, vector<1x512xf32>,
    } else {
    }
    %eq3A_15 = arith.constant 21 : i32
    %eq3A_16 = arith.cmpi eq, %arg1, %eq3A_15 : i32
    %convert_element_type3A_17 = arith.extui %eq3A_16 : i1 to i32
    %cond3A_18 = arith.constant 0 : i32
    %cond3A_19 = arith.cmpi ne, %convert_element_type3A_17, %cond3A_18 : i32
    scf.if %cond3A_19 {
      %iota3A = tpu.iota {dimensions = array<i32: 0>} : vector<20x512xi32>
      %lt3A = arith.constant 15 : i32
      %lt3A_20 = vector.broadcast %lt3A : i32 to vector<20x512xi32>
      %lt3A_21 = arith.cmpi slt, %iota3A, %lt3A_20 : vector<20x512xi32>
      %jit3A = arith.constant 1.500000e-01 : f32
      %jit3A_22 = arith.constant 3.000000e-01 : f32
      %broadcast_in_dim3A = vector.broadcast %jit3A : f32 to vector<20x512xf32>
      %broadcast_in_dim3A_23 = vector.broadcast %jit3A_22 : f32 to vector<20x512xf32>
      %select_n3A = arith.select %lt3A_21, %broadcast_in_dim3A, %broadcast_in_dim3A_23 : vector<20x512xi1>, vector<20x512xf32>
      %jit3A_24 = arith.constant 1.000000e+00 : f32
      %jit3A_25 = arith.constant 1.000000e+00 : f32
      %broadcast_in_dim3A_26 = vector.broadcast %jit3A_24 : f32 to vector<20x512xf32>
      %broadcast_in_dim3A_27 = vector.broadcast %jit3A_25 : f32 to vector<20x512xf32>
      %select_n3A_28 = arith.select %lt3A_21, %broadcast_in_dim3A_26, %broadcast_in_dim3A_27 : vector<20x512xi1>, vector<20x512xf32>
      %jit3A_29 = arith.constant 2.000000e-02 : f32
      %jit3A_30 = arith.constant 1.000000e-01 : f32
      %broadcast_in_dim3A_31 = vector.broadcast %jit3A_29 : f32 to vector<20x512xf32>
      %broadcast_in_dim3A_32 = vector.broadcast %jit3A_30 : f32 to vector<20x512xf32>
      %select_n3A_33 = arith.select %lt3A_21, %broadcast_in_dim3A_31, %broadcast_in_dim3A_32 : vector<20x512xi1>, vector<20x512xf32>
      %jit3A_34 = arith.constant 8.000000e+00 : f32
      %jit3A_35 = arith.constant 2.000000e+00 : f32
      %broadcast_in_dim3A_36 = vector.broadcast %jit3A_34 : f32 to vector<20x512xf32>
      %broadcast_in_dim3A_37 = vector.broadcast %jit3A_35 : f32 to vector<20x512xf32>
      %select_n3A_38 = arith.select %lt3A_21, %broadcast_in_dim3A_36, %broadcast_in_dim3A_37 : vector<20x512xi1>, vector<20x512xf32>
      %get3A = arith.constant 0 : index
      %get3A_39 = arith.constant 0 : index
      %get3A_40 = vector.load %arg14[%get3A, %get3A_39] : memref<20x512xf32, #tpu.memory_space<vmem>>, vector<20x512xf32>
      %get3A_41 = arith.constant 0 : index
      %get3A_42 = arith.constant 0 : index
      %get3A_43 = vector.load %arg15[%get3A_41, %get3A_42] : memref<20x512xf32, #tpu.memory_space<vmem>>, vector<20x512xf32>
      %get3A_44 = arith.constant 0 : index
      %get3A_45 = arith.constant 0 : index
      %get3A_46 = vector.load %arg4[%get3A_44, %get3A_45] : memref<20x512xf32, #tpu.memory_space<vmem>>, vector<20x512xf32>
      %get3A_47 = arith.constant 0 : index
      %get3A_48 = arith.constant 0 : index
      %get3A_49 = vector.load %arg18[%get3A_47, %get3A_48] : memref<20x512xf32, #tpu.memory_space<vmem>>, vector<20x512xf32>
      %mul3A = arith.mulf %select_n3A, %get3A_49 : vector<20x512xf32>
      %sub3A = arith.constant 0.000000e+00 : f32
      %sub3A_50 = vector.broadcast %sub3A : f32 to vector<20x512xf32>
      %sub3A_51 = arith.subf %sub3A_50, %get3A_40 : vector<20x512xf32>
      %mul3A_52 = arith.mulf %mul3A, %sub3A_51 : vector<20x512xf32>
      %add3A = arith.addf %get3A_46, %mul3A_52 : vector<20x512xf32>
      %get3A_53 = arith.constant 0 : index
      %get3A_54 = arith.constant 0 : index
      %get3A_55 = vector.load %arg19[%get3A_53, %get3A_54] : memref<20x512xf32, #tpu.memory_space<vmem>>, vector<20x512xf32>
      %mul3A_56 = arith.mulf %select_n3A_28, %get3A_55 : vector<20x512xf32>
      %sub3A_57 = arith.constant -7.000000e+01 : f32
      %sub3A_58 = vector.broadcast %sub3A_57 : f32 to vector<20x512xf32>
      %sub3A_59 = arith.subf %sub3A_58, %get3A_40 : vector<20x512xf32>
      %mul3A_60 = arith.mulf %mul3A_56, %sub3A_59 : vector<20x512xf32>
      %add3A_61 = arith.addf %add3A, %mul3A_60 : vector<20x512xf32>
      %mul3A_62 = arith.constant 4.000000e-02 : f32
      %mul3A_63 = vector.broadcast %mul3A_62 : f32 to vector<20x512xf32>
      %mul3A_64 = arith.mulf %mul3A_63, %get3A_40 : vector<20x512xf32>
      %mul3A_65 = arith.mulf %mul3A_64, %get3A_40 : vector<20x512xf32>
      %mul3A_66 = arith.constant 5.000000e+00 : f32
      %mul3A_67 = vector.broadcast %mul3A_66 : f32 to vector<20x512xf32>
      %mul3A_68 = arith.mulf %mul3A_67, %get3A_40 : vector<20x512xf32>
      %add3A_69 = arith.addf %mul3A_65, %mul3A_68 : vector<20x512xf32>
      %add3A_70 = arith.constant 1.400000e+02 : f32
      %add3A_71 = vector.broadcast %add3A_70 : f32 to vector<20x512xf32>
      %add3A_72 = arith.addf %add3A_69, %add3A_71 : vector<20x512xf32>
      %sub3A_73 = arith.subf %add3A_72, %get3A_43 : vector<20x512xf32>
      %add3A_74 = arith.addf %sub3A_73, %add3A_61 : vector<20x512xf32>
      %add3A_75 = arith.addf %get3A_40, %add3A_74 : vector<20x512xf32>
      %mul3A_76 = arith.constant 2.000000e-01 : f32
      %mul3A_77 = vector.broadcast %mul3A_76 : f32 to vector<20x512xf32>
      %mul3A_78 = arith.mulf %mul3A_77, %get3A_40 : vector<20x512xf32>
      %sub3A_79 = arith.subf %mul3A_78, %get3A_43 : vector<20x512xf32>
      %mul3A_80 = arith.mulf %select_n3A_33, %sub3A_79 : vector<20x512xf32>
      %add3A_81 = arith.addf %get3A_43, %mul3A_80 : vector<20x512xf32>
      %ge3A_82 = arith.constant 3.000000e+01 : f32
      %ge3A_83 = vector.broadcast %ge3A_82 : f32 to vector<20x512xf32>
      %ge3A_84 = arith.cmpf oge, %add3A_75, %ge3A_83 : vector<20x512xf32>
      %convert_element_type3A_85 = arith.extui %ge3A_84 : vector<20x512xi1> to vector<20x512xi32>
      %convert_element_type3A_86 = arith.sitofp %convert_element_type3A_85 : vector<20x512xi32> to vector<20x512xf32>
      %gt3A = arith.constant 0.000000e+00 : f32
      %gt3A_87 = vector.broadcast %gt3A : f32 to vector<20x512xf32>
      %gt3A_88 = arith.cmpf ogt, %convert_element_type3A_86, %gt3A_87 : vector<20x512xf32>
      %jit3A_89 = arith.constant -9.000000e+01 : f32
      %jit3A_90 = arith.constant 3.000000e+01 : f32
      %max3A = vector.broadcast %jit3A_89 : f32 to vector<20x512xf32>
      %max3A_91 = arith.maximumf %max3A, %add3A_75 : vector<20x512xf32>
      %min3A = vector.broadcast %jit3A_90 : f32 to vector<20x512xf32>
      %min3A_92 = arith.minimumf %min3A, %max3A_91 : vector<20x512xf32>
      %jit3A_93 = arith.constant -6.500000e+01 : f32
      %broadcast_in_dim3A_94 = vector.broadcast %jit3A_93 : f32 to vector<20x512xf32>
      %select_n3A_95 = arith.select %gt3A_88, %broadcast_in_dim3A_94, %min3A_92 : vector<20x512xi1>, vector<20x512xf32>
      %swap3A = arith.constant 0 : index
      %swap3A_96 = arith.constant 0 : index
      %swap3A_97 = vector.load %arg14[%swap3A, %swap3A_96] : memref<20x512xf32, #tpu.memory_space<vmem>>, vector<20x512xf32>
      tpu.vector_store %arg14[%swap3A, %swap3A_96], %select_n3A_95 {strides = array<i32>} : memref<20x512xf32, #tpu.memory_space<vmem>>, vector<20x512xf32>,
      %mul3A_98 = arith.mulf %select_n3A_38, %convert_element_type3A_86 : vector<20x512xf32>
      %add3A_99 = arith.addf %add3A_81, %mul3A_98 : vector<20x512xf32>
      %swap3A_100 = arith.constant 0 : index
      %swap3A_101 = arith.constant 0 : index
      %swap3A_102 = vector.load %arg15[%swap3A_100, %swap3A_101] : memref<20x512xf32, #tpu.memory_space<vmem>>, vector<20x512xf32>
      tpu.vector_store %arg15[%swap3A_100, %swap3A_101], %add3A_99 {strides = array<i32>} : memref<20x512xf32, #tpu.memory_space<vmem>>, vector<20x512xf32>,
      %get3A_103 = arith.constant 0 : index
      %get3A_104 = arith.constant 0 : index
      %get3A_105 = vector.load %arg16[%get3A_103, %get3A_104] : memref<20x512xf32, #tpu.memory_space<vmem>>, vector<20x512xf32>
      %mul3A_106 = arith.constant 0.899999976 : f32
      %mul3A_107 = vector.broadcast %mul3A_106 : f32 to vector<20x512xf32>
      %mul3A_108 = arith.mulf %mul3A_107, %get3A_105 : vector<20x512xf32>
      %mul3A_109 = arith.constant 1.000000e-01 : f32
      %mul3A_110 = vector.broadcast %mul3A_109 : f32 to vector<20x512xf32>
      %mul3A_111 = arith.mulf %mul3A_110, %convert_element_type3A_86 : vector<20x512xf32>
      %add3A_112 = arith.addf %mul3A_108, %mul3A_111 : vector<20x512xf32>
      %swap3A_113 = arith.constant 0 : index
      %swap3A_114 = arith.constant 0 : index
      %swap3A_115 = vector.load %arg16[%swap3A_113, %swap3A_114] : memref<20x512xf32, #tpu.memory_space<vmem>>, vector<20x512xf32>
      tpu.vector_store %arg16[%swap3A_113, %swap3A_114], %add3A_112 {strides = array<i32>} : memref<20x512xf32, #tpu.memory_space<vmem>>, vector<20x512xf32>,
      %get3A_116 = arith.constant 0 : index
      %get3A_117 = arith.constant 0 : index
      %get3A_118 = vector.load %arg17[%get3A_116, %get3A_117] : memref<20x512xf32, #tpu.memory_space<vmem>>, vector<20x512xf32>
      %add3A_119 = arith.addf %get3A_118, %convert_element_type3A_86 : vector<20x512xf32>
      %swap3A_120 = arith.constant 0 : index
      %swap3A_121 = arith.constant 0 : index
      %swap3A_122 = vector.load %arg17[%swap3A_120, %swap3A_121] : memref<20x512xf32, #tpu.memory_space<vmem>>, vector<20x512xf32>
      tpu.vector_store %arg17[%swap3A_120, %swap3A_121], %add3A_119 {strides = array<i32>} : memref<20x512xf32, #tpu.memory_space<vmem>>, vector<20x512xf32>,
      %get3A_123 = arith.constant 0 : index
      %get3A_124 = arith.constant 0 : index
      %get3A_125 = vector.load %arg16[%get3A_123, %get3A_124] : memref<20x512xf32, #tpu.memory_space<vmem>>, vector<20x512xf32>
      %swap3A_126 = arith.constant 0 : index
      %swap3A_127 = arith.constant 0 : index
      %swap3A_128 = vector.load %arg10[%swap3A_126, %swap3A_127] : memref<20x512xf32, #tpu.memory_space<vmem>>, vector<20x512xf32>
      tpu.vector_store %arg10[%swap3A_126, %swap3A_127], %get3A_125 {strides = array<i32>} : memref<20x512xf32, #tpu.memory_space<vmem>>, vector<20x512xf32>,
      %get3A_129 = arith.constant 0 : index
      %get3A_130 = arith.constant 0 : index
      %get3A_131 = vector.load %arg17[%get3A_129, %get3A_130] : memref<20x512xf32, #tpu.memory_space<vmem>>, vector<20x512xf32>
      %swap3A_132 = arith.constant 0 : index
      %swap3A_133 = arith.constant 0 : index
      %swap3A_134 = vector.load %arg11[%swap3A_132, %swap3A_133] : memref<20x512xf32, #tpu.memory_space<vmem>>, vector<20x512xf32>
      tpu.vector_store %arg11[%swap3A_132, %swap3A_133], %get3A_131 {strides = array<i32>} : memref<20x512xf32, #tpu.memory_space<vmem>>, vector<20x512xf32>,
    } else {
    }
    return
  }
  func.func @transform_0(%arg0: i32, %arg1: i32) -> (i32, i32) {
    %sub3A = arith.constant 1 : i32
    %sub3A_0 = arith.subi %arg1, %sub3A : i32
    %jit3A = arith.constant 0 : i32
    %jit3A_1 = arith.constant 19 : i32
    %max3A = arith.maxsi %jit3A, %sub3A_0 : i32
    %min3A = arith.minsi %jit3A_1, %max3A : i32
    %c0_i32 = arith.constant 0 : i32
    %c0_i32_2 = arith.constant 0 : i32
    return %c0_i32, %min3A : i32, i32
  }
  func.func @transform_1(%arg0: i32, %arg1: i32) -> (i32, i32) {
    %sub3A = arith.constant 1 : i32
    %sub3A_0 = arith.subi %arg1, %sub3A : i32
    %jit3A = arith.constant 0 : i32
    %jit3A_1 = arith.constant 19 : i32
    %max3A = arith.maxsi %jit3A, %sub3A_0 : i32
    %min3A = arith.minsi %jit3A_1, %max3A : i32
    %c0_i32 = arith.constant 0 : i32
    %c0_i32_2 = arith.constant 0 : i32
    return %c0_i32, %min3A : i32, i32
  }
  func.func @transform_2(%arg0: i32, %arg1: i32) -> (i32, i32) {
    %c0_i32 = arith.constant 0 : i32
    %c0_i32_0 = arith.constant 0 : i32
    %c0_i32_1 = arith.constant 0 : i32
    return %c0_i32, %c0_i32_0 : i32, i32
  }
  func.func @transform_3(%arg0: i32, %arg1: i32) -> (i32, i32) {
    %c0_i32 = arith.constant 0 : i32
    %c0_i32_0 = arith.constant 0 : i32
    %c0_i32_1 = arith.constant 0 : i32
    return %c0_i32, %c0_i32_0 : i32, i32
  }
  func.func @transform_4(%arg0: i32, %arg1: i32) -> (i32, i32) {
    %c0_i32 = arith.constant 0 : i32
    %c0_i32_0 = arith.constant 0 : i32
    %c0_i32_1 = arith.constant 0 : i32
    return %c0_i32, %c0_i32_0 : i32, i32
  }
  func.func @transform_5(%arg0: i32, %arg1: i32) -> (i32, i32) {
    %c0_i32 = arith.constant 0 : i32
    %c0_i32_0 = arith.constant 0 : i32
    %c0_i32_1 = arith.constant 0 : i32
    return %c0_i32, %c0_i32_0 : i32, i32
  }
  func.func @transform_6(%arg0: i32, %arg1: i32) -> (i32, i32) {
    %c0_i32 = arith.constant 0 : i32
    %c0_i32_0 = arith.constant 0 : i32
    %c0_i32_1 = arith.constant 0 : i32
    return %c0_i32, %c0_i32_0 : i32, i32
  }
  func.func @transform_7(%arg0: i32, %arg1: i32) -> (i32, i32) {
    %c0_i32 = arith.constant 0 : i32
    %c0_i32_0 = arith.constant 0 : i32
    %c0_i32_1 = arith.constant 0 : i32
    return %c0_i32, %c0_i32_0 : i32, i32
  }
  func.func @transform_8(%arg0: i32, %arg1: i32) -> (i32, i32) {
    %c0_i32 = arith.constant 0 : i32
    %c0_i32_0 = arith.constant 0 : i32
    %c0_i32_1 = arith.constant 0 : i32
    return %c0_i32, %c0_i32_0 : i32, i32
  }
  func.func @transform_9(%arg0: i32, %arg1: i32) -> (i32, i32) {
    %c0_i32 = arith.constant 0 : i32
    %c0_i32_0 = arith.constant 0 : i32
    %c0_i32_1 = arith.constant 0 : i32
    return %c0_i32, %c0_i32_0 : i32, i32
  }
}

</mosaic_0001>

<sc_bundles>
// kernel: sparse-core-data-format-call.cloned.1.call-start
scs
called_computation_lowered:
.L_overlay_start_0:
0x0: {  	s1 =	sld [smem:$0x3FD9]  }
0x1: {  	s2 =	sld [smem:$0x3FFE];
	_ =	sdelay $0x1  }
0x2: {  	s3 =	srdreg.scid  }
0x3: {  	s0 =	sand.u32 $0x1, s3  }
0x4: {  	s17 =	sshll.u32 s0, $0xA;
	s1 =	sadd.s32 s2, s1  }
0x5: {  	s1 =	sadd.s32 s1, s17  }
0x6: {  	[smem:$0x3FBA] =	sst s1  }
0x7: {  	_ = 	snop  }
0x8: {  	(tm) =	ssettm $0x1  }
0x9: {  	s18 =	sld [smem:$0x3FFB];
	_ =	sdelay $0x3  }
0xa: {  	_ =	strace s18  }
0xb: {  	s1 =	sld [smem:$0x3FFC];
	_ =	sdelay $0x3  }
0xc: {  	_ =	strace s1  }
0xd: {  	s1 =	sld [smem:$0x3FFD];
	_ =	sdelay $0x3  }
0xe: {  	_ =	strace s1  }
0xf: {  	_ =	strace $0x8FFFFFFF  }
0x10: {  	s19 =	sld [smem:$0x3FDB];
	_ =	sdelay $0x1  }
0x11: {  	s20 =	simm.s32 $_scs_section_size  }
0x12: {  	s4 =	simm.s32 $_size__tile_overlayer_lowered;
	s5 =	simm.s32 $_tile_overlayer_lowered  }
0x13: {  	s23 =	simm.s32 $0x1BFF;
	s22 =	sshll.u32 s5, $0x1;
	s1 =	sadd.s32 s20, s19  }
0x14: {  	s6 =	simm.s32 $0x0;
	s21 =	sshll.u32 s4, $0x1;
	s4 =	sadd.s32 s22, s1  }
0x15: {  	[timem:s6], [sflag:s23] =	dma.local [hbm:s4], s21  }
0x16: {  	_ =	swait.ge [sflag:s23], s21  }
0x17: {  	s2 =	ssub.s32 $0x0, s21;
	[sflag:s23] =	ssyncset.done $0x0  }
0x18: {  	[sflag:s23] =	ssyncadd.s32 s2;
	_ =	sdelay $0x1  }
0x19: {  	s24 =	simm.s32 $0x1B8B  }
0x1a: {  	_ =	swait.ge [sflag:s24], $0x1  }
0x1b: {  	[sflag:s24] =	ssyncset.done $0x0  }
0x1c: {  	s26 =	simm.s32 $0x1B8E;
	s25 =	sld [smem:$0x3FFE];
	[sflag:s24] =	ssyncadd.s32 $0xFFFFFFFF  }
0x1d: {  	s27 =	simm.s32 $execute0_lowered;
	[smem:$0x3FD2] =	sst s26  }
0x1e: {  	s4 =	sshll.u32 s27, $0x1;
	_ =	strace $0x80000046;
	[dreg:$0x1] =	wrdreg $0xFFFFFFFF  }
0x1f: {  	s28 =	simm.s32 $_size_execute0_lowered;
	s1 =	sadd.s32 s1, s4;
	[dreg:$0x0] =	wrdreg $0x0  }
0x20: {  	s4 =	sshll.u32 s28, $0x1;
	[dreg:$0x2] =	wrdreg s1  }
0x21: {  	[dreg:$0x3] =	wrdreg s4  }
0x22: {  	[dreg:$0x4] =	wrdreg $0xC0  }
0x23: {  	_ =	task [dreg:s6], $0x5FFFF  }
0x24: {  	[dreg:$0x1] =	wrdreg $0xFFFFFFFF  }
0x25: {  	[dreg:$0x0] =	wrdreg $0x60  }
0x26: {  	[dreg:$0x2] =	wrdreg s25  }
0x27: {  	[dreg:$0x3] =	wrdreg $0x9  }
0x28: {  	_ =	task.clear_ibuf [dreg:s6], $0x4FFFF;
	_ =	strace $0x90000046  }
0x29: {  	s29 =	simm.s32 $0x9;
	_ =	strace $0x80000048  }
0x2a: {  	_ =	swait.ge [sflag:s29], $0x1  }
0x2b: {  	[sflag:s29] =	ssyncadd.s32 $0xFFFFFFFF  }
0x2c: {  	_ =	strace $0x90000048  }
0x2d: {  	_ =	sfence  }
0x2e: {  	s30 =	sld [smem:$0x0];
	_ =	sdelay $0x2  }
0x2f: {  	s31 =	sshll.u32 s3, $0xD;
	s3 =	sshrl.u32 s3, $0x2  }
0x30: {  	s2 =	sand.u32 $0x4000, s31;
	s1 =	sadd.s32 s3, s30  }
0x31: {  	s0 =	sor.u32 s2, s0;
	s1 =	sshll.u32 s1, $0x11  }
0x32: {  	s0 =	sor.u32 s1, s0  }
0x33: {  	s0 =	sadd.s32 $0x8F2B, s0  }
0x34: {  	[sflag:s0] =	ssyncadd.remote.s32 $0x1  }
0x35: {  	_ =	sfence.sel $0xFFFF  }
0x36: {  	[dreg:$0x0] =	wrdreg $0xFFFFFFFF;
	(pc) =	sbr.abs _section_cstart, $3  }
0x37: {  	[dreg:$0x1] =	wrdreg $0xFFFFFFFF  }
0x38: {  	_ =	task.clear_ibuf [dreg:s6], $0x2FFFF;
	_ =	strace $0x9FFFFFFF  }
0x39: {  	(tm) =	ssettm $0x7FFFFFFF  }
tec
execute0_lowered:
.L_overlay_start_1:
0x0: {  	(tag) =	ssettag $0x1  }
0x1: {  	s0 =	srdreg.scid;
	s1 =	stileid.u32  }
0x2: {  	s30 =	rddreg [dreg:$0x0];
	_ =	strace $0x80000047;
	s0 =	sshll.u32 s0, $0x4  }
0x3: {  	s3 =	simm.s32 $0x1;
	s31 =	simm.s32 $0x2;
	s0 =	sand.u32 $0x10, s0  }
0x4: {  	s15 =	simm.s32 $0x0;
	s14 =	simm.s32 $0x0;
	s0 =	sor.u32 s1, s0  }
0x5: {  	s9 =	simm.s32 $0x0;
	s11 =	simm.s32 $0x0;
	s2 =	sshll.u32 s0, $0x7  }
.Ltmp0:
0x6: {  	s12 =	simm.s32 $0x0;
	s0 =	ssub.s32 $0x1D00, s2;
	(pc) =	sbr.rel .LBB1_1-.Ltmp0, $4  }
0x7: {  	[sflag:s3] =	ssyncpa.u1 $0x0;
	s4 =	sadd.s32 $0x1A00, s30;
	s0 =	sshrl.u32 s0, $0xC  }
0x8: {  	[dreg:$0x2] =	wrdreg s4;
	s1 =	sadd.s32 $0x122400, s30;
	s0 =	smul.u32 $0x14, s0  }
0x9: {  	s13 =	simm.s32 $0x0;
	[sflag:s31] =	ssyncpa.u1 $0x0;
	[dreg:$0x3] =	wrdreg s1  }
0xa: {  	s10 =	smov.u32 s2;
	s6 =	sadd.s32 $0x14, s0;
	s7 =	sadd.s32 $0x15, s0  }
.LBB1_12:
0xb: {  	s0 =	sshrl.u32 s9, $0x3  }
0xc: {  	s1 =	sshll.u32 s11, $0x3;
	s23 =	sshll.u32 s9, $0x7;
	s3 =	sshll.u32 s11, $0x1  }
0xd: {  	s4 =	sand.u32 $0x1, s9;
	s0 =	smul.u32 $0x5000, s0;
	s3 =	sand.u32 $0xFE, s3  }
0xe: {  	p0 =	sgt.s32 s9, $0x1CD0;
	s1 =	sand.u32 $0xFFFFFC00, s1;
	s24 =	sor.u32 s4, s3  }
0xf: {  	s3 =	smov.u32 s9;
	s4 =	smov.u32 s11;
	s0 =	sadd.s32 s1, s0  }
0x10: {  	s1 =	sand.u32 $0x300, s23;
	s3 =	simm.s32 @!p0 $0x1CD0;
	p0 =	sgt.s32 s11, $0x980  }
0x11: {  	s0 =	sor.u32 s1, s0;
	s3 =	sadd.s32 s18, s3;
	s4 =	simm.s32 @!p0 $0x980  }
0x12: {  	s1 =	sor.u32 s0, s24;
	s0 =	smulhi.u32 $0xCCCCCCCD, s0;
	s4 =	sadd.s32 s16, s4  }
0x13: {  	s8 =	sadd.s32 $0xFFFFE330, s3;
	s3 =	ssub.s32 $0x1D50, s3;
	s5 =	smulhi.u32 $0xCCCCCCCD, s1  }
0x14: {  	p0 =	sgt.s32 s8, $0x7F;
	s25 =	sadd.s32 $0xFFFFF680, s4;
	s4 =	ssub.s32 $0xA00, s4  }
0x15: {  	s0 =	sshrl.u32 s0, $0xB;
	s3 =	simm.s32 @p0 $0x0;
	p0 =	sgt.s32 s25, $0x7F  }
0x16: {  	s26 =	smulhi.u32 $0x22EF15, s0;
	s4 =	simm.s32 @p0 $0x0  }
0x17: {  	s27 =	sshrl.u32 s5, $0xB;
	s3 =	smul.u32 s4, s3  }
0x18: {  	s4 =	smul.u32 $0xA00, s27;
	s28 =	sshrl.u32 s26, $0x2  }
0x19: {  	s5 =	smul.u32 $0x1D50, s28  }
0x1a: {  	s29 =	rddreg [dreg:$0x3];
	s30 =	sor.u32 $0x4000, s17  }
0x1b: {  	s31 =	simm.s32 $0x2800;
	s1 =	ssub.s32 s1, s4;
	s0 =	ssub.s32 s0, s5  }
0x1c: {  	s4 =	sshrl.u32 s1, $0x4;
	s1 =	sshll.u32 s1, $0x11;
	s0 =	smul.u32 $0xA0, s0  }
0x1d: {  	s3 =	sshrl.u32 s3, $0x1;
	s4 =	sadd.s32 s29, s4;
	s1 =	sand.u32 $0x1C0000, s1  }
0x1e: {  	s3 =	sand.u32 $0x3FFFFFFF, s3;
	s1 =	sor.u32 $0x200, s1;
	s0 =	sadd.s32 s0, s4  }
0x1f: {  	[hbm4b:s0+s1] =	stream.strided.scatter [tilespmem:s30], [sflag:$0x2], s3, s31, s1, $0x20;
	[tilespmem:$0x8080] =	vst v63  }
.LBB1_13:
0x20: {  	p0 =	slt.u32 s13, $0x2  }
0x21: {  	s1 =	smov.u32 s15;
	s3 =	smov.u32 s14;
	p1 =	sgt.s32 @!p0 s15, $0x1CD0  }
0x22: {  	s0 =	sshra.s32 @!p0 s15, $0x1F;
	p2 =	sgt.s32 @!p0 s14, $0x980;
	s4 =	sshra.s32 @!p0 s14, $0x1F  }
0x23: {  	p1 =	por !p1, p0;
	s0 =	sand.u32 @!p0 s0, s15;
	p2 =	por !p2, p0  }
0x24: {  	s4 =	sand.u32 @!p0 s4, s14;
	s1 =	simm.s32 @p1 $0x1CD0;
	s3 =	simm.s32 @p2 $0x980  }
0x25: {  	s0 =	ssub.s32 @!p0 s1, s0;
	s1 =	ssub.s32 @!p0 s3, s4  }
0x26: {  	s3 =	sadd.s32 @!p0 $0xFFFFE330, s0;
	s4 =	sadd.s32 @!p0 $0xFFFFF680, s1  }
0x27: {  	s0 =	ssub.s32 @!p0 $0x1D50, s0;
	p1 =	sgt.s32 @!p0 s3, $0x7F;
	p2 =	sgt.s32 @!p0 s4, $0x7F  }
0x28: {  	s1 =	ssub.s32 @!p0 $0xA00, s1;
	p1 =	por !p1, p0;
	p2 =	por !p2, p0  }
0x29: {  	s0 =	simm.s32 @!p1 $0x0;
	s1 =	simm.s32 @!p2 $0x0  }
0x2a: {  	s0 =	smul.u32 @!p0 s1, s0;
	s1 =	sadd.s32 $0x1000, s10  }
0x2b: {  	s5 =	smov.u32 s12;
	s4 =	sadd.s32 $0x80, s12;
	p1 =	sgt.s32 s1, $0x1D4B  }
0x2c: {  	s5 =	smov.u32 @p1 s4  }
0x2d: {  	s1 =	smov.u32 @p1 s2;
	p1 =	sgt.s32 s5, $0x9C3  }
0x2e: {  	s5 =	simm.s32 @p1 $0x0;
	p1 =	sne.s32 s13, s7  }
.Ltmp1:
0x2f: {  	s15 =	smov.u32 s9;
	s0 =	sshrl.u32 @!p0 s0, $0x1;
	(pc) =	sbr.rel @!p1 .LBB1_14-.Ltmp1, $4  }
0x30: {  	s14 =	smov.u32 s11;
	s3 =	simm.s32 @!p0 $0x2;
	s0 =	sand.u32 @!p0 $0x3FFFFFFF, s0  }
0x31: {  	s9 =	smov.u32 s10;
	s11 =	smov.u32 s12;
	_ =	swait.ge @!p0 [sflag:s3], s0  }
0x32: {  	s10 =	smov.u32 s1;
	s0 =	ssub.s32 @!p0 $0x0, s0;
	[sflag:s3] =	ssyncset.done @!p0 $0x0  }
0x33: {  	s13 =	sadd.s32 $0x1, s13;
	s12 =	smov.u32 s5;
	[sflag:s3] =	ssyncadd.s32 @!p0 s0  }
.LBB1_1:
0x34: {  	p0 =	sge.u32 s13, s6  }
0x35: {  	s8 =	smov.u32 s10;
	s0 =	sshrl.u32 @!p0 s12, $0x3  }
0x36: {  	s1 =	sshll.u32 @!p0 s10, $0x3;
	s3 =	sshll.u32 @!p0 s12, $0x7;
	s0 =	smul.u32 @!p0 $0xEC00, s0  }
0x37: {  	p1 =	sgt.s32 @!p0 s12, $0x948;
	s4 =	sshra.s32 @!p0 s12, $0x1F;
	s1 =	sand.u32 @!p0 $0xFFFFFC00, s1  }
0x38: {  	s0 =	sadd.s32 @!p0 s0, s1;
	s1 =	sand.u32 @!p0 $0x300, s3;
	s3 =	sshll.u32 @!p0 s10, $0x1  }
0x39: {  	s16 =	sshra.s32 @!p0 s10, $0x1F;
	s0 =	sor.u32 @!p0 s1, s0;
	s1 =	sand.u32 @!p0 $0xFE, s3  }
0x3a: {  	p1 =	por !p1, p0;
	s3 =	sand.u32 @!p0 $0x1, s12;
	s0 =	sor.u32 @!p0 s1, s0  }
0x3b: {  	s4 =	sand.u32 @!p0 s4, s12;
	s1 =	sor.u32 @!p0 s3, s0;
	s3 =	smov.u32 s12  }
0x3c: {  	s5 =	smulhi.u32 @!p0 $0x22B63CBF, s1;
	s3 =	simm.s32 @p1 $0x948;
	p1 =	sgt.s32 @!p0 s10, $0x1D00  }
0x3d: {  	s0 =	smulhi.u32 @!p0 $0x22B63CBF, s0;
	s3 =	ssub.s32 @!p0 s3, s4;
	p1 =	por !p1, p0  }
0x3e: {  	s4 =	sadd.s32 @!p0 $0xFFFFF6B8, s3;
	s8 =	simm.s32 @p1 $0x1D00;
	s5 =	sshrl.u32 @!p0 s5, $0xA  }
0x3f: {  	s3 =	ssub.s32 @!p0 $0x9C8, s3;
	p2 =	sgt.s32 @!p0 s4, $0x7F;
	s4 =	sand.u32 @!p0 s16, s10  }
0x40: {  	s5 =	smul.u32 @!p0 $0x1D80, s5;
	s4 =	ssub.s32 @!p0 s8, s4;
	p1 =	por !p2, p0  }
0x41: {  	s0 =	sshrl.u32 @!p0 s0, $0xA;
	s8 =	sadd.s32 @!p0 $0xFFFFE300, s4;
	s3 =	simm.s32 @!p1 $0x0  }
0x42: {  	s1 =	ssub.s32 @!p0 s1, s5;
	p1 =	sgt.s32 @!p0 s8, $0x7F;
	s8 =	smulhi.u32 @!p0 $0x1A2C2B, s0  }
0x43: {  	s4 =	ssub.s32 @!p0 $0x1D80, s4;
	s5 =	sshrl.u32 @!p0 s1, $0x4;
	s1 =	sshll.u32 @!p0 s1, $0x11  }
0x44: {  	p1 =	por !p1, p0;
	s1 =	sand.u32 @!p0 $0x1C0000, s1;
	s8 =	smul.u32 @!p0 $0x9C8, s8  }
0x45: {  	s4 =	simm.s32 @!p1 $0x0;
	s1 =	sor.u32 @!p0 $0x200, s1  }
0x46: {  	s3 =	smul.u32 @!p0 s3, s4;
	s4 =	sxor.u32 @!p0 $0xFFFFFFFF, s13;
	s0 =	ssub.s32 @!p0 s0, s8  }
0x47: {  	s8 =	rddreg [dreg:$0x2];
	s4 =	sshll.u32 @!p0 s4, $0xD;
	s0 =	smul.u32 @!p0 $0x1D8, s0  }
0x48: {  	s3 =	sshrl.u32 @!p0 s3, $0x1;
	s5 =	sadd.s32 @!p0 s8, s5;
	s4 =	sand.u32 @!p0 $0x2000, s4  }
0x49: {  	s3 =	sand.u32 @!p0 $0x3FFFFFFF, s3;
	s0 =	sadd.s32 @!p0 s0, s5;
	s5 =	simm.s32 @!p0 $0x7600  }
0x4a: {  	[tilespmem:s4], [sflag:$0x1] =	stream.strided.gather @!p0 [hbm4b:s0+s1], s3, s5, s1, $0x38;
	[tilespmem:$0x8080] =	vst v63  }
0x4b: {  	p0 =	seq.s32 s13, $0x0  }
0x4c: {  	p1 =	sge.u32 @!p0 s13, s7  }
0x4d: {  	p0 =	por p0, p1  }
.Ltmp2:
0x4e: {  	_ = 	snop;
	(pc) =	sbr.rel @p0 .LBB1_13-.Ltmp2, $1  }
0x4f: {  	_ =	sdelay $0x3  }
0x50: {  	s0 =	ssub.s32 $0x0, s11;
	s1 =	sshra.s32 s11, $0x1F  }
0x51: {  	p0 =	sgt.s32 s11, $0x948;
	s3 =	smov.u32 s11;
	s26 =	ssub.s32 $0x0, s9  }
0x52: {  	s27 =	sshra.s32 s9, $0x1F;
	s16 =	sand.u32 s0, s1;
	s3 =	simm.s32 @!p0 $0x948  }
0x53: {  	s4 =	smov.u32 s9;
	p0 =	sgt.s32 s9, $0x1D00;
	s3 =	sadd.s32 s16, s3  }
0x54: {  	s18 =	sand.u32 s26, s27;
	s4 =	simm.s32 @!p0 $0x1D00;
	s28 =	sadd.s32 $0xFFFFF6B8, s3  }
0x55: {  	s1 =	sadd.s32 s18, s4;
	s3 =	ssub.s32 $0x9C8, s3;
	p0 =	sgt.s32 s28, $0x7F  }
0x56: {  	s29 =	sadd.s32 $0xFFFFE300, s1;
	s0 =	ssub.s32 $0x1D80, s1;
	s1 =	sadd.s32 $0x80, s11  }
0x57: {  	p1 =	sgt.s32 s29, $0x7F;
	s3 =	simm.s32 @p0 $0x0;
	p0 =	slt.s32 s1, $0x9C4  }
0x58: {  	s0 =	simm.s32 @p1 $0x0;
	s1 =	simm.s32 @!p0 $0x9C4  }
0x59: {  	s0 =	smul.u32 s3, s0;
	s19 =	ssub.s32 s1, s11  }
0x5a: {  	p0 =	slt.s32 s19, $0x1  }
.Ltmp3:
0x5b: {  	s3 =	sshrl.u32 s0, $0x1;
	(pc) =	sbr.rel @p0 .LBB1_12-.Ltmp3, $4  }
0x5c: {  	s5 =	simm.s32 $0x1;
	s0 =	sand.u32 $0x1, s13;
	s3 =	sand.u32 $0x3FFFFFFF, s3  }
0x5d: {  	s30 =	smul.u32 $0x4080, s0;
	_ =	swait.ge [sflag:s5], s3  }
0x5e: {  	s31 =	ssub.s32 $0x0, s3;
	[sflag:s5] =	ssyncset.done $0x0  }
0x5f: {  	s17 =	sshrl.u32 s30, $0x1;
	[sflag:s5] =	ssyncadd.s32 s31  }
0x60: {  	s1 =	sadd.s32 $0x80, s9  }
0x61: {  	p0 =	slt.s32 s1, $0x1D4C  }
.Ltmp4:
0x62: {  	s1 =	simm.s32 @!p0 $0x1D4C;
	(pc) =	sbr.rel .LBB1_4-.Ltmp4, $4  }
0x63: {  	s1 =	ssub.s32 s1, s9  }
0x64: {  	s22 =	sshll.u32 s0, $0xD;
	s3 =	sadd.s32 $0xF, s1;
	s1 =	sadd.s32 $0x1F, s1  }
0x65: {  	s23 =	sor.u32 $0x4000, s17;
	s20 =	sand.u32 $0xFFFFFFF0, s3;
	s21 =	sand.u32 $0xFFFFFF00, s1  }
0x66: {  	s24 =	simm.s32 $0x0;
	p0 =	slt.s32 s1, $0x100;
	p1 =	sge.s32 s21, s20  }
.LBB1_11:
0x67: {  	s24 =	sadd.s32 $0x2, s24  }
0x68: {  	p2 =	slt.s32 s24, s19  }
.Ltmp5:
0x69: {  	_ = 	snop;
	(pc) =	sbr.rel @!p2 .LBB1_12-.Ltmp5, $1  }
0x6a: {  	_ =	sdelay $0x3  }
.LBB1_4:
.Ltmp6:
0x6b: {  	(pc) =	sbr.rel @p0 .LBB1_8-.Ltmp6, $2  }
0x6c: {  	_ =	sdelay $0x2  }
0x6d: {  	s26 =	sand.u32 $0x7E, s24;
	s25 =	sshll.u32 s24, $0x6  }
0x6e: {  	s3 =	sand.u32 $0x1F80, s25  }
0x6f: {  	s8 =	sadd.s32 s3, s22  }
0x70: {  	v0 =	vld [tilespmem:s8+$0x60]  }
0x71: {  	v1 =	vld [tilespmem:s8+$0x70]  }
0x72: {  	s4 =	sshll.u32 s26, $0x6;
	v2 =	vld [tilespmem:s8+$0x40]  }
0x73: {  	s5 =	sadd.s32 s4, s22;
	v3 =	vld [tilespmem:s8+$0x50]  }
0x74: {  	v4 =	vld [tilespmem:s5+$0x30]  }
0x75: {  	v5 =	vld [tilespmem:s8+$0x20]  }
0x76: {  	v6 =	vld [tilespmem:s8+$0x30]  }
0x77: {  	s0 =	sand.u32 $0x3E, s24;
	v7 =	vld [tilespmem:s5+$0x10];
	v1 =	vperm.xlane.i2c.b16 v1;
	v8 =	vperm.xlane.i2c.b16 v0  }
0x78: {  	s1 =	sand.u32 $0x40, s24;
	s0 =	sadd.s32 s0, s23;
	v9 =	vld [tilespmem:s8+$0x0];
	v10 =	vperm.xlane.i2c.b16 v3;
	v2 =	vperm.xlane.i2c.b16 v2  }
0x79: {  	s27 =	sadd.s32 s1, s0;
	v11 =	vld [tilespmem:s8+$0x10];
	v0 =	vcombine.low v8, v1  }
0x7a: {  	p2 =	sgt.s32 s21, $0x100;
	s1 =	sadd.s32 $0x1830, s27;
	v3 =	vperm.xlane.i2c.b16 v5;
	v12 =	vcombine.low v2, v10  }
.Ltmp7:
0x7b: {  	s3 =	sadd.s32 $0x1020, s27;
	v13 =	vperm.xlane.i2c.b16 v6;
	v4 =	vperm.xlane.i2c.b16 v4;
	[tilespmem:s1+$0x0 ss:$0x81] =	vst.msk $0xffff, v0;
	(pc) =	sbr.rel @!p2 .LBB1_7-.Ltmp7, $4  }
0x7c: {  	v6 =	vperm.xlane.i2c.b16 v7;
	v1 =	vcombine.high v8, v1;
	[tilespmem:s3+$0x0 ss:$0x81] =	vst.msk $0xffff, v12  }
0x7d: {  	s0 =	sadd.s32 $0x1831, s27;
	v7 =	vperm.xlane.i2c.b16 v9;
	v2 =	vcombine.high v2, v10;
	[tilespmem:s3+$0x0 ss:$0x81] =	vst.msk $0xffff, v12  }
0x7e: {  	s4 =	simm.s32 $0x100;
	s31 =	sadd.s32 $0x1021, s27;
	v9 =	vperm.xlane.i2c.b16 v11;
	v8 =	vcombine.low v3, v13;
	[tilespmem:s0+$0x0 ss:$0x81] =	vst.msk $0xffff, v1  }
0x7f: {  	s28 =	sadd.s32 $0x1, s27;
	s29 =	sadd.s32 $0x810, s27;
	s30 =	sadd.s32 $0x811, s27;
	v5 =	vcombine.low v3, v4;
	v10 =	vcombine.high v3, v13;
	[tilespmem:s31+$0x0 ss:$0x81] =	vst.msk $0xffff, v2  }
.LBB1_6:
0x80: {  	v11 =	vld [tilespmem:s8+$0x60];
	v12 =	vcombine.low v7, v6;
	v13 =	vcombine.low v7, v9;
	[tilespmem:s29+$0x0 ss:$0x81] =	vst.msk $0xffff, v8  }
0x81: {  	v6 =	vcombine.high v7, v6;
	v7 =	vcombine.high v7, v9;
	v8 =	vld [tilespmem:s8+$0x70];
	[tilespmem:s30+$0x0 ss:$0x81] =	vst.msk $0xffff, v10  }
0x82: {  	v3 =	vcombine.high v3, v4;
	v9 =	vld [tilespmem:s8+$0x40];
	[tilespmem:s27+$0x0 ss:$0x81] =	vst.msk $0xffff, v13  }
0x83: {  	v4 =	vld [tilespmem:s8+$0x50];
	[tilespmem:s28+$0x0 ss:$0x81] =	vst.msk $0xffff, v7  }
0x84: {  	v7 =	vld [tilespmem:s5+$0x30];
	[tilespmem:s27+$0x0 ss:$0x81] =	vst.msk $0xffff, v12  }
0x85: {  	v10 =	vld [tilespmem:s8+$0x20];
	[tilespmem:s28+$0x0 ss:$0x81] =	vst.msk $0xffff, v6  }
0x86: {  	v6 =	vld [tilespmem:s8+$0x30];
	[tilespmem:s29+$0x0 ss:$0x81] =	vst.msk $0xffff, v5  }
0x87: {  	v11 =	vperm.xlane.i2c.b16 v11;
	v8 =	vperm.xlane.i2c.b16 v8;
	v5 =	vld [tilespmem:s5+$0x10];
	[tilespmem:s30+$0x0 ss:$0x81] =	vst.msk $0xffff, v3  }
0x88: {  	v9 =	vperm.xlane.i2c.b16 v9;
	v12 =	vld [tilespmem:s8+$0x0];
	v13 =	vperm.xlane.i2c.b16 v4;
	[tilespmem:s31+$0x0 ss:$0x81] =	vst.msk $0xffff, v2  }
0x89: {  	s4 =	sadd.s32 $0x100, s4;
	v14 =	vld [tilespmem:s8+$0x10];
	[tilespmem:s1+$0x0 ss:$0x81] =	vst.msk $0xffff, v0;
	v0 =	vcombine.low v11, v8  }
0x8a: {  	p2 =	slt.s32 s4, s21;
	v15 =	vcombine.low v9, v13;
	[tilespmem:s0+$0x0 ss:$0x81] =	vst.msk $0xffff, v1;
	v1 =	vcombine.high v11, v8  }
.Ltmp8:
0x8b: {  	v3 =	vperm.xlane.i2c.b16 v10;
	v10 =	vperm.xlane.i2c.b16 v6;
	[tilespmem:s1+$0x0 ss:$0x81] =	vst.msk $0xffff, v0;
	(pc) =	sbr.rel @p2 .LBB1_6-.Ltmp8, $4  }
0x8c: {  	v4 =	vperm.xlane.i2c.b16 v7;
	v2 =	vcombine.high v9, v13;
	[tilespmem:s3+$0x0 ss:$0x81] =	vst.msk $0xffff, v15  }
0x8d: {  	v6 =	vperm.xlane.i2c.b16 v5;
	v8 =	vcombine.low v3, v10;
	[tilespmem:s0+$0x0 ss:$0x81] =	vst.msk $0xffff, v1  }
0x8e: {  	v7 =	vperm.xlane.i2c.b16 v12;
	v9 =	vperm.xlane.i2c.b16 v14;
	[tilespmem:s3+$0x0 ss:$0x81] =	vst.msk $0xffff, v15  }
0x8f: {  	v5 =	vcombine.low v3, v4;
	v10 =	vcombine.high v3, v10;
	[tilespmem:s31+$0x0 ss:$0x81] =	vst.msk $0xffff, v2  }
.LBB1_7:
0x90: {  	[tilespmem:s29+$0x0 ss:$0x81] =	vst.msk $0xffff, v8  }
0x91: {  	[tilespmem:s31+$0x0 ss:$0x81] =	vst.msk $0xffff, v2  }
0x92: {  	[tilespmem:s1+$0x0 ss:$0x81] =	vst.msk $0xffff, v0  }
0x93: {  	[tilespmem:s30+$0x0 ss:$0x81] =	vst.msk $0xffff, v10  }
0x94: {  	v11 =	vcombine.low v7, v9;
	[tilespmem:s29+$0x0 ss:$0x81] =	vst.msk $0xffff, v5  }
0x95: {  	v62 =	vcombine.low v7, v6;
	[tilespmem:s0+$0x0 ss:$0x81] =	vst.msk $0xffff, v1  }
0x96: {  	v3 =	vcombine.high v3, v4;
	[tilespmem:s27+$0x0 ss:$0x81] =	vst.msk $0xffff, v11  }
0x97: {  	v61 =	vcombine.high v7, v9;
	[tilespmem:s27+$0x0 ss:$0x81] =	vst.msk $0xffff, v62  }
0x98: {  	v63 =	vcombine.high v7, v6;
	[tilespmem:s30+$0x0 ss:$0x81] =	vst.msk $0xffff, v3  }
0x99: {  	[tilespmem:s28+$0x0 ss:$0x81] =	vst.msk $0xffff, v61  }
0x9a: {  	[tilespmem:s28+$0x0 ss:$0x81] =	vst.msk $0xffff, v63  }
.LBB1_8:
.Ltmp9:
0x9b: {  	(pc) =	sbr.rel @p1 .LBB1_11-.Ltmp9, $1  }
0x9c: {  	_ =	sdelay $0x3  }
0x9d: {  	s0 =	sand.u32 $0x3E, s24;
	s3 =	sshll.u32 s26, $0x8  }
0x9e: {  	s4 =	sand.u32 $0x40, s24;
	s1 =	sadd.s32 s0, s23;
	s0 =	sand.u32 $0x1F80, s25  }
0x9f: {  	s3 =	sshrl.u32 s3, $0x2;
	s1 =	sadd.s32 s4, s1;
	s4 =	smov.u32 s21  }
.LBB1_10:
0xa0: {  	s5 =	sand.u32 $0x40, s4  }
0xa1: {  	s5 =	sadd.s32 s5, s22  }
0xa2: {  	s8 =	sand.u32 $0x20, s4;
	s25 =	sadd.s32 s0, s5  }
0xa3: {  	s5 =	sadd.s32 s3, s5;
	s25 =	sadd.s32 s8, s25  }
0xa4: {  	s5 =	sadd.s32 s8, s5;
	v0 =	vld [tilespmem:s25+$0x0]  }
0xa5: {  	v1 =	vld [tilespmem:s5+$0x10];
	_ =	sdelay $0x3  }
0xa6: {  	s31 =	sand.u32 $0x60, s4;
	s4 =	sadd.s32 $0x20, s4  }
0xa7: {  	p2 =	slt.s32 s4, s20;
	s5 =	smul.u32 $0x102, s31;
	v1 =	vperm.xlane.i2c.b16 v1;
	v0 =	vperm.xlane.i2c.b16 v0  }
.Ltmp10:
0xa8: {  	_ = 	snop;
	(pc) =	sbr.rel @p2 .LBB1_10-.Ltmp10, $4  }
0xa9: {  	s5 =	sshrl.u32 s5, $0x2;
	v2 =	vcombine.low v0, v1  }
0xaa: {  	s5 =	sadd.s32 s5, s1;
	v0 =	vcombine.high v0, v1  }
0xab: {  	[tilespmem:s5+$0x0 ss:$0x81] =	vst.msk $0xffff, v2  }
0xac: {  	[tilespmem:s5+$0x1 ss:$0x81] =	vst.msk $0xffff, v0  }
.Ltmp11:
0xad: {  	_ = 	snop;
	(pc) =	sbr.rel .LBB1_11-.Ltmp11, $1  }
0xae: {  	_ =	sdelay $0x3  }
.LBB1_14:
0xaf: {  	_ =	sfence.sel $0x180000  }
0xb0: {  	s0 =	simm.s32 $0x1;
	[bflag:$0x0] =	sbarrier.arrive $0xFFFF  }
0xb1: {  	s30 =	simm.s32 $0x2;
	[sflag:s0] =	ssyncpa.u1 $0x1  }
0xb2: {  	[sflag:s30] =	ssyncpa.u1 $0x1  }
0xb3: {  	_ =	strace $0x90000047  }
0xb4: {  	s31 =	stileid.u32;
	[bflag:$0x2] =	sbarrier.arrive $0xFFFF  }
0xb5: {  	p0 =	sne.s32 s31, $0x0;
	s0 =	rddreg [dreg:$0x1]  }
0xb6: {  	s0 =	sadd.s32 @!p0 $0x100000, s0  }
0xb7: {  	[sflag:s0] =	ssyncadd.tile.s32 @!p0 $0x1;
	_ =	shalt  }
.Lfunc_end1:
_tile_overlayer_lowered:
.L_overlay_start_2:
0xb8: {  	(tag) =	ssettag $0x2  }
0xb9: {  	s0 =	rddreg [dreg:$0x0];
	s2 =	stileid.u32  }
0xba: {  	s1 =	rddreg [dreg:$0x1];
	p0 =	sne.s32 s2, $0x0  }
0xbb: {  	s3 =	rddreg [dreg:$0x2];
	[bflag:$0x3] =	sbarrier.arrive $0xFFFF;
	s2 =	simm.s32 @!p0 $0x1C01  }
0xbc: {  	[timem:s3], [sflag:s2] =	dma.local @!p0 [hbm:s0], s1  }
0xbd: {  	s0 =	simm.s32 @!p0 $0x1  }
0xbe: {  	_ =	swait.ge @!p0 [sflag:s0], s1  }
0xbf: {  	s1 =	ssub.s32 @!p0 $0x0, s1;
	[sflag:s0] =	ssyncset.done @!p0 $0x0  }
0xc0: {  	[sflag:s0] =	ssyncadd.s32 @!p0 s1  }
0xc1: {  	[bflag:$0x3] =	sbarrier.arrive $0xFFFF  }
0xc2: {  	_ =	shalt  }

</sc_bundles>
